<compile_context>
chip_gen: v7x
topology: tpu7x:2x2x1
jax: 0.10.2.dev20260603
libtpu: 0.0.44.dev20260713+nightly
codegen_flags: <defaults>
</compile_context>

<pallas_src>
import functools

import jax
import jax.numpy as jnp
from jax import lax
from jax.experimental import pallas as pl
from jax.experimental.pallas import tpu as pltpu
from jax.experimental.pallas import tpu_sc as plsc

N = 4_000_000
CHUNK = 3_200
NUM_CHUNKS = N // CHUNK
L = 16
NC, NS = 2, 16
NW = NC * NS
N_SP = 119
NK_MAX = -(-NUM_CHUNKS // NW)
NK_EVEN = NK_MAX + (NK_MAX % 2)


@functools.partial(
    pl.kernel,
    out_type=jax.ShapeDtypeStruct((1, N), jnp.float32),
    mesh=plsc.VectorSubcoreMesh(core_axis_name="c", subcore_axis_name="s"),
    scratch_types=[
        pltpu.VMEM((1, CHUNK), jnp.float32),
        pltpu.VMEM((1, CHUNK), jnp.float32),
        pltpu.VMEM((CHUNK,), jnp.int32),
        pltpu.VMEM((CHUNK,), jnp.int32),
        pltpu.VMEM((1, CHUNK), jnp.float32),
        pltpu.VMEM((1, CHUNK), jnp.float32),
        pltpu.VMEM((1, N_SP), jnp.float32),
        pltpu.VMEM((1, N_SP), jnp.float32),
        pltpu.SemaphoreType.DMA,
        pltpu.SemaphoreType.DMA,
        pltpu.SemaphoreType.DMA,
        pltpu.SemaphoreType.DMA,
        pltpu.SemaphoreType.DMA,
        pltpu.SemaphoreType.DMA,
    ],
    compiler_params=pltpu.CompilerParams(
        needs_layout_passes=False, use_tc_tiling_on_sc=True),
)
def _scale_shift_sc(x_hbm, z_hbm, s_hbm, b_hbm, out_hbm,
                    xv0, xv1, zv0, zv1, ov0, ov1, ts, tb,
                    sx0, sx1, sz0, sz1, so0, so1):
    xv, zv, ov = (xv0, xv1), (zv0, zv1), (ov0, ov1)
    sx, sz, so = (sx0, sx1), (sz0, sz1), (so0, so1)
    wid = lax.axis_index("s") * NC + lax.axis_index("c")
    nk = (NUM_CHUNKS - wid + NW - 1) // NW
    pltpu.sync_copy(s_hbm, ts)
    pltpu.sync_copy(b_hbm, tb)
    zero = jnp.zeros((L,), jnp.int32)

    def start_in(k, b):
        off = (wid + k * NW) * CHUNK
        pltpu.async_copy(x_hbm.at[:, pl.ds(off, CHUNK)], xv[b], sx[b])
        pltpu.async_copy(z_hbm.at[pl.ds(off, CHUNK)], zv[b], sz[b])

    def wait_in(b):
        pltpu.make_async_copy(x_hbm.at[:, pl.ds(0, CHUNK)], xv[b], sx[b]).wait()
        pltpu.make_async_copy(z_hbm.at[pl.ds(0, CHUNK)], zv[b], sz[b]).wait()

    def start_out(k, b):
        off = (wid + k * NW) * CHUNK
        pltpu.async_copy(ov[b], out_hbm.at[:, pl.ds(off, CHUNK)], so[b])

    def wait_out(b):
        pltpu.make_async_copy(ov[b], out_hbm.at[:, pl.ds(0, CHUNK)], so[b]).wait()

    start_in(0, 0)

    @pl.when(nk > 1)
    def _():
        start_in(1, 1)

    @pl.loop(0, NK_EVEN, step=2)
    def _pair(kk):
        for b in (0, 1):
            k = kk + b

            @pl.when(k < nk)
            def _():
                wait_in(b)

                @pl.when(k >= 2)
                def _():
                    wait_out(b)

                @plsc.parallel_loop(0, CHUNK // L, unroll=16)
                def _vec(i):
                    sl = pl.ds(i * L, L)
                    idx = zv[b][sl]
                    s = plsc.load_gather(ts, [zero, idx])
                    sh = plsc.load_gather(tb, [zero, idx])
                    ov[b][0, sl] = s * xv[b][0, sl] + sh

                start_out(k, b)

                @pl.when(k + 2 < nk)
                def _():
                    start_in(k + 2, b)

    for b in (0, 1):
        @pl.when(nk > b)
        def _():
            wait_out(b)


def kernel(x, Z, scale_param, shift_param):
    out = _scale_shift_sc(x.T, Z.astype(jnp.int32), scale_param.T,
                          shift_param.T)
    return out.T

# --- scband reference (transcript-rebuilt; emitter-appended) ---
"""Pipeline reference for scband-per-element-scale-shift-31559419691385 (READ-ONLY COPY).

The authoritative reference and input builder live on the scoring server;
editing this copy changes nothing except your own understanding.
"""

import jax, jax.numpy as jnp
import numpy as np

N_ATOMS = 4000000
N_SPECIES = 119


def setup_inputs(seed: int = 0) -> dict:
    key = jax.random.key(seed)
    k1, k2 = jax.random.split(key)
    x = jax.random.normal(k1, (N_ATOMS, 1), dtype=jnp.float32)
    Z = jax.random.randint(k2, (N_ATOMS,), 0, N_SPECIES, dtype=jnp.int32).astype(jnp.int64)
    # learned params per init_kwargs: scale init = constant 1.0, shift init = constant 0.0
    scale_param = jnp.ones((N_SPECIES, 1), dtype=jnp.float32)
    shift_param = jnp.zeros((N_SPECIES, 1), dtype=jnp.float32)
    return {"x": x, "Z": Z, "scale_param": scale_param, "shift_param": shift_param}


def reference(x, Z, scale_param, shift_param):
    # Faithful translation of PerElementScaleShift.__call__:
    #   out = scale_param[Z] * x + shift_param[Z]
    x = x.astype(jnp.float32)
    s = jnp.take(scale_param, Z, axis=0)   # [N, 1] gather
    b = jnp.take(shift_param, Z, axis=0)   # [N, 1] gather
    out = s * x + b
    return out

if __name__ == "__main__":
    import jax
    _d = setup_inputs()
    print(jax.jit(kernel)(*tuple(_d.values())))

</pallas_src>

<mosaic_0001>
#map = affine_map<(d0, d1) -> (0, 0)>
#map1 = affine_map<(d0, d1) -> (0)>
module attributes {stable_mosaic.version = 14 : i64} {
  func.func @_scale_shift_sc(%arg0: i32, %arg1: i32, %arg2: memref<1x4000000xf32, #tpu.memory_space<hbm>>, %arg3: memref<4000000xi32, #tpu.memory_space<hbm>>, %arg4: memref<1x119xf32, #tpu.memory_space<hbm>>, %arg5: memref<1x119xf32, #tpu.memory_space<hbm>>, %arg6: memref<1x4000000xf32, #tpu.memory_space<hbm>>, %arg7: memref<1x3200xf32, #tpu.memory_space<vmem>>, %arg8: memref<1x3200xf32, #tpu.memory_space<vmem>>, %arg9: memref<3200xi32, #tpu.memory_space<vmem>>, %arg10: memref<3200xi32, #tpu.memory_space<vmem>>, %arg11: memref<1x3200xf32, #tpu.memory_space<vmem>>, %arg12: memref<1x3200xf32, #tpu.memory_space<vmem>>, %arg13: memref<1x119xf32, #tpu.memory_space<vmem>>, %arg14: memref<1x119xf32, #tpu.memory_space<vmem>>, %arg15: memref<!tpu.dma_semaphore, #tpu.memory_space<semaphore_mem>>, %arg16: memref<!tpu.dma_semaphore, #tpu.memory_space<semaphore_mem>>, %arg17: memref<!tpu.dma_semaphore, #tpu.memory_space<semaphore_mem>>, %arg18: memref<!tpu.dma_semaphore, #tpu.memory_space<semaphore_mem>>, %arg19: memref<!tpu.dma_semaphore, #tpu.memory_space<semaphore_mem>>, %arg20: memref<!tpu.dma_semaphore, #tpu.memory_space<semaphore_mem>>) attributes {dimension_semantics = [#tpu.dimension_semantics<core_parallel>, #tpu.dimension_semantics<subcore_parallel>], iteration_bounds = array<i64: 2, 16>, scalar_prefetch = 0 : i64, scratch_operands = 14 : i64, tpu.core_type = #tpu.core_type<sc_vector_subcore>, window_params = [{transform_indices = #map}, {transform_indices = #map1}, {transform_indices = #map}, {transform_indices = #map}, {transform_indices = #map}]} {
    %mul3A = arith.constant 2 : i32
    %mul3A_0 = arith.muli %arg1, %mul3A : i32
    %add3A = arith.addi %mul3A_0, %arg0 : i32
    %sub3A = arith.constant 1250 : i32
    %sub3A_1 = arith.subi %sub3A, %add3A : i32
    %add3A_2 = arith.constant 32 : i32
    %add3A_3 = arith.addi %sub3A_1, %add3A_2 : i32
    %sub3A_4 = arith.constant 1 : i32
    %sub3A_5 = arith.subi %add3A_3, %sub3A_4 : i32
    %jit3A = arith.constant 32 : i32
    %div3A = arith.divsi %sub3A_5, %jit3A : i32
    %sign3A = arith.constant 0 : i32
    %sign3A_6 = arith.cmpi sgt, %sub3A_5, %sign3A : i32
    %sign3A_7 = arith.extui %sign3A_6 : i1 to i32
    %sign3A_8 = arith.constant 0 : i32
    %sign3A_9 = arith.cmpi slt, %sub3A_5, %sign3A_8 : i32
    %sign3A_10 = arith.extui %sign3A_9 : i1 to i32
    %sign3A_11 = arith.subi %sign3A_7, %sign3A_10 : i32
    %sign3A_12 = arith.constant 0 : i32
    %sign3A_13 = arith.cmpi sgt, %jit3A, %sign3A_12 : i32
    %sign3A_14 = arith.extui %sign3A_13 : i1 to i32
    %sign3A_15 = arith.constant 0 : i32
    %sign3A_16 = arith.cmpi slt, %jit3A, %sign3A_15 : i32
    %sign3A_17 = arith.extui %sign3A_16 : i1 to i32
    %sign3A_18 = arith.subi %sign3A_14, %sign3A_17 : i32
    %ne3A = arith.cmpi ne, %sign3A_11, %sign3A_18 : i32
    %rem3A = arith.remsi %sub3A_5, %jit3A : i32
    %ne3A_19 = arith.constant 0 : i32
    %ne3A_20 = arith.cmpi ne, %rem3A, %ne3A_19 : i32
    %and3A = arith.andi %ne3A, %ne3A_20 : i1
    %sub3A_21 = arith.constant 1 : i32
    %sub3A_22 = arith.subi %div3A, %sub3A_21 : i32
    %select_n3A = arith.select %and3A, %sub3A_22, %div3A : i32
    "tpu.region"() ({
      %run_scoped3A = tpu.sem_alloc : memref<!tpu.dma_semaphore, #tpu.memory_space<semaphore_mem>>
      tpu.enqueue_dma source(%arg4 : memref<1x119xf32, #tpu.memory_space<hbm>>) target(%arg13 : memref<1x119xf32, #tpu.memory_space<vmem>>) target_semaphore(%run_scoped3A : memref<!tpu.dma_semaphore, #tpu.memory_space<semaphore_mem>>)
      tpu.wait_dma2 semaphore(%run_scoped3A : memref<!tpu.dma_semaphore, #tpu.memory_space<semaphore_mem>>) src(%arg4 : memref<1x119xf32, #tpu.memory_space<hbm>>) dst(%arg13 : memref<1x119xf32, #tpu.memory_space<vmem>>)
      tpu.yield
    }) : () -> ()
    "tpu.region"() ({
      %run_scoped3A = tpu.sem_alloc : memref<!tpu.dma_semaphore, #tpu.memory_space<semaphore_mem>>
      tpu.enqueue_dma source(%arg5 : memref<1x119xf32, #tpu.memory_space<hbm>>) target(%arg14 : memref<1x119xf32, #tpu.memory_space<vmem>>) target_semaphore(%run_scoped3A : memref<!tpu.dma_semaphore, #tpu.memory_space<semaphore_mem>>)
      tpu.wait_dma2 semaphore(%run_scoped3A : memref<!tpu.dma_semaphore, #tpu.memory_space<semaphore_mem>>) src(%arg5 : memref<1x119xf32, #tpu.memory_space<hbm>>) dst(%arg14 : memref<1x119xf32, #tpu.memory_space<vmem>>)
      tpu.yield
    }) : () -> ()
    %broadcast_in_dim3A = arith.constant 0 : i32
    %broadcast_in_dim3A_23 = vector.broadcast %broadcast_in_dim3A : i32 to vector<16xi32>
    %add3A_24 = arith.constant 0 : i32
    %add3A_25 = arith.addi %add3A, %add3A_24 : i32
    %mul3A_26 = arith.constant 3200 : i32
    %mul3A_27 = arith.muli %add3A_25, %mul3A_26 : i32
    %dma_start3A = arith.constant 0 : i32
    %dma_start3A_28 = tpu.memref_slice %arg2[%dma_start3A, %mul3A_27] : memref<1x4000000xf32, #tpu.memory_space<hbm>> -> memref<1x3200xf32, #tpu.memory_space<hbm>>
    %dma_start3A_29 = arith.constant 0 : i32
    %dma_start3A_30 = tpu.memref_slice %arg2[%dma_start3A_29, %mul3A_27] : memref<1x4000000xf32, #tpu.memory_space<hbm>> -> memref<1x3200xf32, #tpu.memory_space<hbm>>
    tpu.enqueue_dma source(%dma_start3A_30 : memref<1x3200xf32, #tpu.memory_space<hbm>>) target(%arg7 : memref<1x3200xf32, #tpu.memory_space<vmem>>) target_semaphore(%arg15 : memref<!tpu.dma_semaphore, #tpu.memory_space<semaphore_mem>>)
    %dma_start3A_31 = tpu.memref_slice %arg3[%mul3A_27] : memref<4000000xi32, #tpu.memory_space<hbm>> -> memref<3200xi32, #tpu.memory_space<hbm>>
    %dma_start3A_32 = tpu.memref_slice %arg3[%mul3A_27] : memref<4000000xi32, #tpu.memory_space<hbm>> -> memref<3200xi32, #tpu.memory_space<hbm>>
    tpu.enqueue_dma source(%dma_start3A_32 : memref<3200xi32, #tpu.memory_space<hbm>>) target(%arg9 : memref<3200xi32, #tpu.memory_space<vmem>>) target_semaphore(%arg17 : memref<!tpu.dma_semaphore, #tpu.memory_space<semaphore_mem>>)
    %gt3A = arith.constant 1 : i32
    %gt3A_33 = arith.cmpi sgt, %select_n3A, %gt3A : i32
    %convert_element_type3A = arith.extui %gt3A_33 : i1 to i32
    %cond3A = arith.constant 0 : i32
    %cond3A_34 = arith.cmpi ne, %convert_element_type3A, %cond3A : i32
    scf.if %cond3A_34 {
      %add3A_49 = arith.constant 32 : i32
      %add3A_50 = arith.addi %add3A, %add3A_49 : i32
      %mul3A_51 = arith.constant 3200 : i32
      %mul3A_52 = arith.muli %add3A_50, %mul3A_51 : i32
      %dma_start3A_53 = arith.constant 0 : i32
      %dma_start3A_54 = tpu.memref_slice %arg2[%dma_start3A_53, %mul3A_52] : memref<1x4000000xf32, #tpu.memory_space<hbm>> -> memref<1x3200xf32, #tpu.memory_space<hbm>>
      %dma_start3A_55 = arith.constant 0 : i32
      %dma_start3A_56 = tpu.memref_slice %arg2[%dma_start3A_55, %mul3A_52] : memref<1x4000000xf32, #tpu.memory_space<hbm>> -> memref<1x3200xf32, #tpu.memory_space<hbm>>
      tpu.enqueue_dma source(%dma_start3A_56 : memref<1x3200xf32, #tpu.memory_space<hbm>>) target(%arg8 : memref<1x3200xf32, #tpu.memory_space<vmem>>) target_semaphore(%arg16 : memref<!tpu.dma_semaphore, #tpu.memory_space<semaphore_mem>>)
      %dma_start3A_57 = tpu.memref_slice %arg3[%mul3A_52] : memref<4000000xi32, #tpu.memory_space<hbm>> -> memref<3200xi32, #tpu.memory_space<hbm>>
      %dma_start3A_58 = tpu.memref_slice %arg3[%mul3A_52] : memref<4000000xi32, #tpu.memory_space<hbm>> -> memref<3200xi32, #tpu.memory_space<hbm>>
      tpu.enqueue_dma source(%dma_start3A_58 : memref<3200xi32, #tpu.memory_space<hbm>>) target(%arg10 : memref<3200xi32, #tpu.memory_space<vmem>>) target_semaphore(%arg18 : memref<!tpu.dma_semaphore, #tpu.memory_space<semaphore_mem>>)
    } else {
    }
    %scan3A = arith.constant 0 : i32
    %scan3A_35 = arith.constant 20 : i32
    %scan3A_36 = arith.addi %scan3A, %scan3A_35 : i32
    %scan3A_37 = arith.constant 1 : i32
    scf.for %scan3A_49 = %scan3A to %scan3A_36 step %scan3A_37  : i32 {
      %mul3A_50 = arith.constant 2 : i32
      %mul3A_51 = arith.muli %scan3A_49, %mul3A_50 : i32
      %add3A_52 = arith.constant 0 : i32
      %add3A_53 = arith.addi %add3A_52, %mul3A_51 : i32
      %add3A_54 = arith.constant 0 : i32
      %add3A_55 = arith.addi %add3A_53, %add3A_54 : i32
      %lt3A = arith.cmpi slt, %add3A_55, %select_n3A : i32
      %convert_element_type3A_56 = arith.extui %lt3A : i1 to i32
      %cond3A_57 = arith.constant 0 : i32
      %cond3A_58 = arith.cmpi ne, %convert_element_type3A_56, %cond3A_57 : i32
      scf.if %cond3A_58 {
        %dma_wait3A = arith.constant 0 : i32
        %dma_wait3A_65 = arith.constant 0 : i32
        %dma_wait3A_66 = tpu.memref_slice %arg2[%dma_wait3A, %dma_wait3A_65] : memref<1x4000000xf32, #tpu.memory_space<hbm>> -> memref<1x3200xf32, #tpu.memory_space<hbm>>
        %dma_wait3A_67 = arith.constant 0 : i32
        %dma_wait3A_68 = arith.constant 0 : i32
        %dma_wait3A_69 = tpu.memref_slice %arg2[%dma_wait3A_67, %dma_wait3A_68] : memref<1x4000000xf32, #tpu.memory_space<hbm>> -> memref<1x3200xf32, #tpu.memory_space<hbm>>
        tpu.wait_dma2 semaphore(%arg15 : memref<!tpu.dma_semaphore, #tpu.memory_space<semaphore_mem>>) src(%dma_wait3A_69 : memref<1x3200xf32, #tpu.memory_space<hbm>>) dst(%arg7 : memref<1x3200xf32, #tpu.memory_space<vmem>>)
        %dma_wait3A_70 = arith.constant 0 : i32
        %dma_wait3A_71 = tpu.memref_slice %arg3[%dma_wait3A_70] : memref<4000000xi32, #tpu.memory_space<hbm>> -> memref<3200xi32, #tpu.memory_space<hbm>>
        %dma_wait3A_72 = arith.constant 0 : i32
        %dma_wait3A_73 = tpu.memref_slice %arg3[%dma_wait3A_72] : memref<4000000xi32, #tpu.memory_space<hbm>> -> memref<3200xi32, #tpu.memory_space<hbm>>
        tpu.wait_dma2 semaphore(%arg17 : memref<!tpu.dma_semaphore, #tpu.memory_space<semaphore_mem>>) src(%dma_wait3A_73 : memref<3200xi32, #tpu.memory_space<hbm>>) dst(%arg9 : memref<3200xi32, #tpu.memory_space<vmem>>)
        %ge3A = arith.constant 2 : i32
        %ge3A_74 = arith.cmpi sge, %add3A_55, %ge3A : i32
        %convert_element_type3A_75 = arith.extui %ge3A_74 : i1 to i32
        %cond3A_76 = arith.constant 0 : i32
        %cond3A_77 = arith.cmpi ne, %convert_element_type3A_75, %cond3A_76 : i32
        scf.if %cond3A_77 {
          %dma_wait3A_95 = arith.constant 0 : i32
          %dma_wait3A_96 = arith.constant 0 : i32
          %dma_wait3A_97 = tpu.memref_slice %arg6[%dma_wait3A_95, %dma_wait3A_96] : memref<1x4000000xf32, #tpu.memory_space<hbm>> -> memref<1x3200xf32, #tpu.memory_space<hbm>>
          %dma_wait3A_98 = arith.constant 0 : i32
          %dma_wait3A_99 = arith.constant 0 : i32
          %dma_wait3A_100 = tpu.memref_slice %arg6[%dma_wait3A_98, %dma_wait3A_99] : memref<1x4000000xf32, #tpu.memory_space<hbm>> -> memref<1x3200xf32, #tpu.memory_space<hbm>>
          tpu.wait_dma2 semaphore(%arg19 : memref<!tpu.dma_semaphore, #tpu.memory_space<semaphore_mem>>) src(%arg11 : memref<1x3200xf32, #tpu.memory_space<vmem>>) dst(%dma_wait3A_100 : memref<1x3200xf32, #tpu.memory_space<hbm>>)
        } else {
        }
        %parallel_loop3A = arith.constant 0 : i32
        %parallel_loop3A_78 = arith.constant 200 : i32
        %parallel_loop3A_79 = arith.constant 1 : i32
        scf.for %parallel_loop3A_95 = %parallel_loop3A to %parallel_loop3A_78 step %parallel_loop3A_79  : i32 {
          %parallel_loop3A_96 = arith.constant 16 : i32
          %parallel_loop3A_97 = arith.muli %parallel_loop3A_95, %parallel_loop3A_96 : i32
          %parallel_loop3A_98 = arith.index_cast %parallel_loop3A_97 : i32 to index
          %parallel_loop3A_99 = tpu.vector_load %arg9[%parallel_loop3A_98] {strides = array<i32>} : memref<3200xi32, #tpu.memory_space<vmem>>, vector<16xi32>,
          %parallel_loop3A_100 = tpu.vector_load_idx %arg13[%broadcast_in_dim3A_23, %parallel_loop3A_99] : memref<1x119xf32, #tpu.memory_space<vmem>>[vector<16xi32>, vector<16xi32>], vector<16xf32>,
          %parallel_loop3A_101 = tpu.vector_load_idx %arg14[%broadcast_in_dim3A_23, %parallel_loop3A_99] : memref<1x119xf32, #tpu.memory_space<vmem>>[vector<16xi32>, vector<16xi32>], vector<16xf32>,
          %parallel_loop3A_102 = arith.constant 0 : i32
          %parallel_loop3A_103 = arith.index_cast %parallel_loop3A_102 : i32 to index
          %parallel_loop3A_104 = arith.index_cast %parallel_loop3A_97 : i32 to index
          %parallel_loop3A_105 = tpu.vector_load %arg7[%parallel_loop3A_103, %parallel_loop3A_104] {strides = array<i32>} : memref<1x3200xf32, #tpu.memory_space<vmem>>, vector<16xf32>,
          %parallel_loop3A_106 = arith.mulf %parallel_loop3A_100, %parallel_loop3A_105 : vector<16xf32>
          %parallel_loop3A_107 = arith.addf %parallel_loop3A_106, %parallel_loop3A_101 : vector<16xf32>
          %parallel_loop3A_108 = arith.constant 0 : i32
          %parallel_loop3A_109 = arith.index_cast %parallel_loop3A_108 : i32 to index
          %parallel_loop3A_110 = arith.index_cast %parallel_loop3A_97 : i32 to index
          %parallel_loop3A_111 = tpu.vector_load %arg11[%parallel_loop3A_109, %parallel_loop3A_110] {strides = array<i32>} : memref<1x3200xf32, #tpu.memory_space<vmem>>, vector<16xf32>,
          tpu.vector_store %arg11[%parallel_loop3A_109, %parallel_loop3A_110], %parallel_loop3A_107 {strides = array<i32>} : memref<1x3200xf32, #tpu.memory_space<vmem>>, vector<16xf32>,
        } {sc.loop_unroll_factor = 16 : i64, sc.parallel_access}
        %mul3A_80 = arith.constant 32 : i32
        %mul3A_81 = arith.muli %add3A_55, %mul3A_80 : i32
        %add3A_82 = arith.addi %add3A, %mul3A_81 : i32
        %mul3A_83 = arith.constant 3200 : i32
        %mul3A_84 = arith.muli %add3A_82, %mul3A_83 : i32
        %dma_start3A_85 = arith.constant 0 : i32
        %dma_start3A_86 = tpu.memref_slice %arg6[%dma_start3A_85, %mul3A_84] : memref<1x4000000xf32, #tpu.memory_space<hbm>> -> memref<1x3200xf32, #tpu.memory_space<hbm>>
        %dma_start3A_87 = arith.constant 0 : i32
        %dma_start3A_88 = tpu.memref_slice %arg6[%dma_start3A_87, %mul3A_84] : memref<1x4000000xf32, #tpu.memory_space<hbm>> -> memref<1x3200xf32, #tpu.memory_space<hbm>>
        tpu.enqueue_dma source(%arg11 : memref<1x3200xf32, #tpu.memory_space<vmem>>) target(%dma_start3A_88 : memref<1x3200xf32, #tpu.memory_space<hbm>>) target_semaphore(%arg19 : memref<!tpu.dma_semaphore, #tpu.memory_space<semaphore_mem>>)
        %add3A_89 = arith.constant 2 : i32
        %add3A_90 = arith.addi %add3A_55, %add3A_89 : i32
        %lt3A_91 = arith.cmpi slt, %add3A_90, %select_n3A : i32
        %convert_element_type3A_92 = arith.extui %lt3A_91 : i1 to i32
        %cond3A_93 = arith.constant 0 : i32
        %cond3A_94 = arith.cmpi ne, %convert_element_type3A_92, %cond3A_93 : i32
        scf.if %cond3A_94 {
          %add3A_95 = arith.constant 2 : i32
          %add3A_96 = arith.addi %add3A_55, %add3A_95 : i32
          %mul3A_97 = arith.constant 32 : i32
          %mul3A_98 = arith.muli %add3A_96, %mul3A_97 : i32
          %add3A_99 = arith.addi %add3A, %mul3A_98 : i32
          %mul3A_100 = arith.constant 3200 : i32
          %mul3A_101 = arith.muli %add3A_99, %mul3A_100 : i32
          %dma_start3A_102 = arith.constant 0 : i32
          %dma_start3A_103 = tpu.memref_slice %arg2[%dma_start3A_102, %mul3A_101] : memref<1x4000000xf32, #tpu.memory_space<hbm>> -> memref<1x3200xf32, #tpu.memory_space<hbm>>
          %dma_start3A_104 = arith.constant 0 : i32
          %dma_start3A_105 = tpu.memref_slice %arg2[%dma_start3A_104, %mul3A_101] : memref<1x4000000xf32, #tpu.memory_space<hbm>> -> memref<1x3200xf32, #tpu.memory_space<hbm>>
          tpu.enqueue_dma source(%dma_start3A_105 : memref<1x3200xf32, #tpu.memory_space<hbm>>) target(%arg7 : memref<1x3200xf32, #tpu.memory_space<vmem>>) target_semaphore(%arg15 : memref<!tpu.dma_semaphore, #tpu.memory_space<semaphore_mem>>)
          %dma_start3A_106 = tpu.memref_slice %arg3[%mul3A_101] : memref<4000000xi32, #tpu.memory_space<hbm>> -> memref<3200xi32, #tpu.memory_space<hbm>>
          %dma_start3A_107 = tpu.memref_slice %arg3[%mul3A_101] : memref<4000000xi32, #tpu.memory_space<hbm>> -> memref<3200xi32, #tpu.memory_space<hbm>>
          tpu.enqueue_dma source(%dma_start3A_107 : memref<3200xi32, #tpu.memory_space<hbm>>) target(%arg9 : memref<3200xi32, #tpu.memory_space<vmem>>) target_semaphore(%arg17 : memref<!tpu.dma_semaphore, #tpu.memory_space<semaphore_mem>>)
        } else {
        }
      } else {
      }
      %add3A_59 = arith.constant 1 : i32
      %add3A_60 = arith.addi %add3A_53, %add3A_59 : i32
      %lt3A_61 = arith.cmpi slt, %add3A_60, %select_n3A : i32
      %convert_element_type3A_62 = arith.extui %lt3A_61 : i1 to i32
      %cond3A_63 = arith.constant 0 : i32
      %cond3A_64 = arith.cmpi ne, %convert_element_type3A_62, %cond3A_63 : i32
      scf.if %cond3A_64 {
        %dma_wait3A = arith.constant 0 : i32
        %dma_wait3A_65 = arith.constant 0 : i32
        %dma_wait3A_66 = tpu.memref_slice %arg2[%dma_wait3A, %dma_wait3A_65] : memref<1x4000000xf32, #tpu.memory_space<hbm>> -> memref<1x3200xf32, #tpu.memory_space<hbm>>
        %dma_wait3A_67 = arith.constant 0 : i32
        %dma_wait3A_68 = arith.constant 0 : i32
        %dma_wait3A_69 = tpu.memref_slice %arg2[%dma_wait3A_67, %dma_wait3A_68] : memref<1x4000000xf32, #tpu.memory_space<hbm>> -> memref<1x3200xf32, #tpu.memory_space<hbm>>
        tpu.wait_dma2 semaphore(%arg16 : memref<!tpu.dma_semaphore, #tpu.memory_space<semaphore_mem>>) src(%dma_wait3A_69 : memref<1x3200xf32, #tpu.memory_space<hbm>>) dst(%arg8 : memref<1x3200xf32, #tpu.memory_space<vmem>>)
        %dma_wait3A_70 = arith.constant 0 : i32
        %dma_wait3A_71 = tpu.memref_slice %arg3[%dma_wait3A_70] : memref<4000000xi32, #tpu.memory_space<hbm>> -> memref<3200xi32, #tpu.memory_space<hbm>>
        %dma_wait3A_72 = arith.constant 0 : i32
        %dma_wait3A_73 = tpu.memref_slice %arg3[%dma_wait3A_72] : memref<4000000xi32, #tpu.memory_space<hbm>> -> memref<3200xi32, #tpu.memory_space<hbm>>
        tpu.wait_dma2 semaphore(%arg18 : memref<!tpu.dma_semaphore, #tpu.memory_space<semaphore_mem>>) src(%dma_wait3A_73 : memref<3200xi32, #tpu.memory_space<hbm>>) dst(%arg10 : memref<3200xi32, #tpu.memory_space<vmem>>)
        %ge3A = arith.constant 2 : i32
        %ge3A_74 = arith.cmpi sge, %add3A_60, %ge3A : i32
        %convert_element_type3A_75 = arith.extui %ge3A_74 : i1 to i32
        %cond3A_76 = arith.constant 0 : i32
        %cond3A_77 = arith.cmpi ne, %convert_element_type3A_75, %cond3A_76 : i32
        scf.if %cond3A_77 {
          %dma_wait3A_95 = arith.constant 0 : i32
          %dma_wait3A_96 = arith.constant 0 : i32
          %dma_wait3A_97 = tpu.memref_slice %arg6[%dma_wait3A_95, %dma_wait3A_96] : memref<1x4000000xf32, #tpu.memory_space<hbm>> -> memref<1x3200xf32, #tpu.memory_space<hbm>>
          %dma_wait3A_98 = arith.constant 0 : i32
          %dma_wait3A_99 = arith.constant 0 : i32
          %dma_wait3A_100 = tpu.memref_slice %arg6[%dma_wait3A_98, %dma_wait3A_99] : memref<1x4000000xf32, #tpu.memory_space<hbm>> -> memref<1x3200xf32, #tpu.memory_space<hbm>>
          tpu.wait_dma2 semaphore(%arg20 : memref<!tpu.dma_semaphore, #tpu.memory_space<semaphore_mem>>) src(%arg12 : memref<1x3200xf32, #tpu.memory_space<vmem>>) dst(%dma_wait3A_100 : memref<1x3200xf32, #tpu.memory_space<hbm>>)
        } else {
        }
        %parallel_loop3A = arith.constant 0 : i32
        %parallel_loop3A_78 = arith.constant 200 : i32
        %parallel_loop3A_79 = arith.constant 1 : i32
        scf.for %parallel_loop3A_95 = %parallel_loop3A to %parallel_loop3A_78 step %parallel_loop3A_79  : i32 {
          %parallel_loop3A_96 = arith.constant 16 : i32
          %parallel_loop3A_97 = arith.muli %parallel_loop3A_95, %parallel_loop3A_96 : i32
          %parallel_loop3A_98 = arith.index_cast %parallel_loop3A_97 : i32 to index
          %parallel_loop3A_99 = tpu.vector_load %arg10[%parallel_loop3A_98] {strides = array<i32>} : memref<3200xi32, #tpu.memory_space<vmem>>, vector<16xi32>,
          %parallel_loop3A_100 = tpu.vector_load_idx %arg13[%broadcast_in_dim3A_23, %parallel_loop3A_99] : memref<1x119xf32, #tpu.memory_space<vmem>>[vector<16xi32>, vector<16xi32>], vector<16xf32>,
          %parallel_loop3A_101 = tpu.vector_load_idx %arg14[%broadcast_in_dim3A_23, %parallel_loop3A_99] : memref<1x119xf32, #tpu.memory_space<vmem>>[vector<16xi32>, vector<16xi32>], vector<16xf32>,
          %parallel_loop3A_102 = arith.constant 0 : i32
          %parallel_loop3A_103 = arith.index_cast %parallel_loop3A_102 : i32 to index
          %parallel_loop3A_104 = arith.index_cast %parallel_loop3A_97 : i32 to index
          %parallel_loop3A_105 = tpu.vector_load %arg8[%parallel_loop3A_103, %parallel_loop3A_104] {strides = array<i32>} : memref<1x3200xf32, #tpu.memory_space<vmem>>, vector<16xf32>,
          %parallel_loop3A_106 = arith.mulf %parallel_loop3A_100, %parallel_loop3A_105 : vector<16xf32>
          %parallel_loop3A_107 = arith.addf %parallel_loop3A_106, %parallel_loop3A_101 : vector<16xf32>
          %parallel_loop3A_108 = arith.constant 0 : i32
          %parallel_loop3A_109 = arith.index_cast %parallel_loop3A_108 : i32 to index
          %parallel_loop3A_110 = arith.index_cast %parallel_loop3A_97 : i32 to index
          %parallel_loop3A_111 = tpu.vector_load %arg12[%parallel_loop3A_109, %parallel_loop3A_110] {strides = array<i32>} : memref<1x3200xf32, #tpu.memory_space<vmem>>, vector<16xf32>,
          tpu.vector_store %arg12[%parallel_loop3A_109, %parallel_loop3A_110], %parallel_loop3A_107 {strides = array<i32>} : memref<1x3200xf32, #tpu.memory_space<vmem>>, vector<16xf32>,
        } {sc.loop_unroll_factor = 16 : i64, sc.parallel_access}
        %mul3A_80 = arith.constant 32 : i32
        %mul3A_81 = arith.muli %add3A_60, %mul3A_80 : i32
        %add3A_82 = arith.addi %add3A, %mul3A_81 : i32
        %mul3A_83 = arith.constant 3200 : i32
        %mul3A_84 = arith.muli %add3A_82, %mul3A_83 : i32
        %dma_start3A_85 = arith.constant 0 : i32
        %dma_start3A_86 = tpu.memref_slice %arg6[%dma_start3A_85, %mul3A_84] : memref<1x4000000xf32, #tpu.memory_space<hbm>> -> memref<1x3200xf32, #tpu.memory_space<hbm>>
        %dma_start3A_87 = arith.constant 0 : i32
        %dma_start3A_88 = tpu.memref_slice %arg6[%dma_start3A_87, %mul3A_84] : memref<1x4000000xf32, #tpu.memory_space<hbm>> -> memref<1x3200xf32, #tpu.memory_space<hbm>>
        tpu.enqueue_dma source(%arg12 : memref<1x3200xf32, #tpu.memory_space<vmem>>) target(%dma_start3A_88 : memref<1x3200xf32, #tpu.memory_space<hbm>>) target_semaphore(%arg20 : memref<!tpu.dma_semaphore, #tpu.memory_space<semaphore_mem>>)
        %add3A_89 = arith.constant 2 : i32
        %add3A_90 = arith.addi %add3A_60, %add3A_89 : i32
        %lt3A_91 = arith.cmpi slt, %add3A_90, %select_n3A : i32
        %convert_element_type3A_92 = arith.extui %lt3A_91 : i1 to i32
        %cond3A_93 = arith.constant 0 : i32
        %cond3A_94 = arith.cmpi ne, %convert_element_type3A_92, %cond3A_93 : i32
        scf.if %cond3A_94 {
          %add3A_95 = arith.constant 2 : i32
          %add3A_96 = arith.addi %add3A_60, %add3A_95 : i32
          %mul3A_97 = arith.constant 32 : i32
          %mul3A_98 = arith.muli %add3A_96, %mul3A_97 : i32
          %add3A_99 = arith.addi %add3A, %mul3A_98 : i32
          %mul3A_100 = arith.constant 3200 : i32
          %mul3A_101 = arith.muli %add3A_99, %mul3A_100 : i32
          %dma_start3A_102 = arith.constant 0 : i32
          %dma_start3A_103 = tpu.memref_slice %arg2[%dma_start3A_102, %mul3A_101] : memref<1x4000000xf32, #tpu.memory_space<hbm>> -> memref<1x3200xf32, #tpu.memory_space<hbm>>
          %dma_start3A_104 = arith.constant 0 : i32
          %dma_start3A_105 = tpu.memref_slice %arg2[%dma_start3A_104, %mul3A_101] : memref<1x4000000xf32, #tpu.memory_space<hbm>> -> memref<1x3200xf32, #tpu.memory_space<hbm>>
          tpu.enqueue_dma source(%dma_start3A_105 : memref<1x3200xf32, #tpu.memory_space<hbm>>) target(%arg8 : memref<1x3200xf32, #tpu.memory_space<vmem>>) target_semaphore(%arg16 : memref<!tpu.dma_semaphore, #tpu.memory_space<semaphore_mem>>)
          %dma_start3A_106 = tpu.memref_slice %arg3[%mul3A_101] : memref<4000000xi32, #tpu.memory_space<hbm>> -> memref<3200xi32, #tpu.memory_space<hbm>>
          %dma_start3A_107 = tpu.memref_slice %arg3[%mul3A_101] : memref<4000000xi32, #tpu.memory_space<hbm>> -> memref<3200xi32, #tpu.memory_space<hbm>>
          tpu.enqueue_dma source(%dma_start3A_107 : memref<3200xi32, #tpu.memory_space<hbm>>) target(%arg10 : memref<3200xi32, #tpu.memory_space<vmem>>) target_semaphore(%arg18 : memref<!tpu.dma_semaphore, #tpu.memory_space<semaphore_mem>>)
        } else {
        }
      } else {
      }
    }
    %scan3A_38 = arith.constant 20 : i32
    %gt3A_39 = arith.constant 0 : i32
    %gt3A_40 = arith.cmpi sgt, %select_n3A, %gt3A_39 : i32
    %convert_element_type3A_41 = arith.extui %gt3A_40 : i1 to i32
    %cond3A_42 = arith.constant 0 : i32
    %cond3A_43 = arith.cmpi ne, %convert_element_type3A_41, %cond3A_42 : i32
    scf.if %cond3A_43 {
      %dma_wait3A = arith.constant 0 : i32
      %dma_wait3A_49 = arith.constant 0 : i32
      %dma_wait3A_50 = tpu.memref_slice %arg6[%dma_wait3A, %dma_wait3A_49] : memref<1x4000000xf32, #tpu.memory_space<hbm>> -> memref<1x3200xf32, #tpu.memory_space<hbm>>
      %dma_wait3A_51 = arith.constant 0 : i32
      %dma_wait3A_52 = arith.constant 0 : i32
      %dma_wait3A_53 = tpu.memref_slice %arg6[%dma_wait3A_51, %dma_wait3A_52] : memref<1x4000000xf32, #tpu.memory_space<hbm>> -> memref<1x3200xf32, #tpu.memory_space<hbm>>
      tpu.wait_dma2 semaphore(%arg19 : memref<!tpu.dma_semaphore, #tpu.memory_space<semaphore_mem>>) src(%arg11 : memref<1x3200xf32, #tpu.memory_space<vmem>>) dst(%dma_wait3A_53 : memref<1x3200xf32, #tpu.memory_space<hbm>>)
    } else {
    }
    %gt3A_44 = arith.constant 1 : i32
    %gt3A_45 = arith.cmpi sgt, %select_n3A, %gt3A_44 : i32
    %convert_element_type3A_46 = arith.extui %gt3A_45 : i1 to i32
    %cond3A_47 = arith.constant 0 : i32
    %cond3A_48 = arith.cmpi ne, %convert_element_type3A_46, %cond3A_47 : i32
    scf.if %cond3A_48 {
      %dma_wait3A = arith.constant 0 : i32
      %dma_wait3A_49 = arith.constant 0 : i32
      %dma_wait3A_50 = tpu.memref_slice %arg6[%dma_wait3A, %dma_wait3A_49] : memref<1x4000000xf32, #tpu.memory_space<hbm>> -> memref<1x3200xf32, #tpu.memory_space<hbm>>
      %dma_wait3A_51 = arith.constant 0 : i32
      %dma_wait3A_52 = arith.constant 0 : i32
      %dma_wait3A_53 = tpu.memref_slice %arg6[%dma_wait3A_51, %dma_wait3A_52] : memref<1x4000000xf32, #tpu.memory_space<hbm>> -> memref<1x3200xf32, #tpu.memory_space<hbm>>
      tpu.wait_dma2 semaphore(%arg20 : memref<!tpu.dma_semaphore, #tpu.memory_space<semaphore_mem>>) src(%arg12 : memref<1x3200xf32, #tpu.memory_space<vmem>>) dst(%dma_wait3A_53 : memref<1x3200xf32, #tpu.memory_space<hbm>>)
    } else {
    }
    return
  }
}

</mosaic_0001>

<sc_bundles>
// kernel: kernel.3.cloned.1.call-start
scs
__scs_entry_jumppad:
0x0: {  	(pc) =	sbr.rel $0x88, $3  }
0x1: {  	(tag) =	ssettag $0x0;
	lr =	simm.s32 $0x1  }
0x2: {  	[smem:$0x3F9D] =	sst lr;
	_ =	strace $0xD0000000  }
0x3: {  	_ = 	snop  }
0x4: {  	_ = 	snop  }
0x5: {  	_ = 	snop  }
0x6: {  	_ = 	snop  }
0x7: {  	_ = 	snop  }
__scs_overlays_trampoline_lowered:
0x8: {  	[smem:$0x3FAC] =	sst s0  }
0x9: {  	[smem:$0x3FAD] =	sst s1  }
0xa: {  	[smem:$0x3FAE] =	sst s2  }
0xb: {  	[smem:$0x3FAF] =	sst s3  }
0xc: {  	[smem:$0x3FB0] =	sst s4  }
0xd: {  	[smem:$0x3FB1] =	sst s5  }
0xe: {  	[smem:$0x3FB2] =	sst s6  }
0xf: {  	[smem:$0x3FB3] =	sst s7  }
0x10: {  	[smem:$0x3FB4] =	sst s8  }
0x11: {  	[smem:$0x3FB5] =	sst s9;
	s0 =	simm.s32 @!p0 $0x0  }
0x12: {  	s1 =	sld [smem:$0x3F9B];
	s0 =	simm.s32 @p0 $0x1  }
0x13: {  	[smem:$0x3FB6] =	sst s0;
	s0 =	simm.s32 @!p1 $0x0  }
0x14: {  	s2 =	sld [smem:$0x3F9A];
	s0 =	simm.s32 @p1 $0x1  }
0x15: {  	[smem:$0x3FB7] =	sst s0;
	s0 =	simm.s32 @!p2 $0x0  }
0x16: {  	s3 =	sld [smem:$0x3FDB];
	s0 =	simm.s32 @p2 $0x1  }
0x17: {  	s4 =	simm.s32 $0x1BF5;
	[smem:$0x3FB9] =	sst s0  }
0x18: {  	s0 =	sld [smem:$0x3F9C];
	_ =	swait.ge [sflag:s4], $0x0  }
0x19: {  	s7 =	sld [smem:$0x3F9D]  }
0x1a: {  	s8 =	sadd.s32 $0xFFFFE003, lr  }
0x1b: {  	s9 =	sadd.s32 $0xFFFFFEF7, lr;
	s5 =	simm.s32 $0xFFFFFFFF;
	p2 =	slt.u32 s8, $0xFFFFF086  }
0x1c: {  	p1 =	slt.u32 s9, $0xF7A;
	s5 =	simm.s32 @!p2 $0x0  }
0x1d: {  	s5 =	simm.s32 @p1 $0x1;
	p0 =	seq.s32 s7, s2  }
0x1e: {  	s7 =	smul.u32 @!p0 $0xF7A, s2;
	p2 =	seq.s32 @!p0 s5, $0x0  }
0x1f: {  	s9 =	smul.u32 $0xF7A, s1;
	s8 =	simm.s32 @!p0 $0x1BF5;
	p2 =	por !p2, p0  }
0x20: {  	[sflag:s8] =	ssyncset.s32 @!p0 $0xFFFFF086;
	s6 =	sadd.s32 @!p0 s3, s7;
	s7 =	simm.s32 @!p0 $0x108  }
0x21: {  	s3 =	sadd.s32 s3, s9;
	s6 =	sadd.s32 @!p0 $0x88, s6;
	s7 =	simm.s32 @p2 $0x1082  }
0x22: {  	[simem:s7], [sflag:s8] =	dma.local @!p0 [hbm:s6], $0xF7A  }
0x23: {  	s9 =	sor.u32 $0xD0000000, s2;
	s6 =	simm.s32 $0x108;
	_ =	swait.ge @!p0 [sflag:s8], $0x0  }
0x24: {  	s3 =	sadd.s32 $0x88, s3;
	s6 =	simm.s32 @!p1 $0x1082;
	[sflag:s4] =	ssyncset.s32 $0xFFFFF086  }
0x25: {  	[simem:s6], [sflag:s4] =	dma.local [hbm:s3], $0xF7A  }
0x26: {  	[smem:$0x3F9D] =	sst s1;
	(tag) =	ssettag s2;
	_ =	strace s9  }
0x27: {  	s1 =	sld [smem:$0x3FAD]  }
0x28: {  	s2 =	sld [smem:$0x3FAE]  }
0x29: {  	s4 =	sld [smem:$0x3FB0]  }
0x2a: {  	p0 =	seq.s32 s5, $0x0;
	s5 =	sld [smem:$0x3FB1]  }
0x2b: {  	s6 =	sld [smem:$0x3FB2]  }
0x2c: {  	s7 =	sld [smem:$0x3FB3]  }
0x2d: {  	s3 =	simm.s32 $0x108;
	s8 =	sld [smem:$0x3FB4]  }
0x2e: {  	s3 =	simm.s32 @!p0 $0x1082;
	s9 =	sld [smem:$0x3FB5]  }
0x2f: {  	lr =	sadd.s32 s0, s3;
	s0 =	sld [smem:$0x3FAC]  }
0x30: {  	s3 =	sld [smem:$0x3FAF]  }
0x31: {  	[smem:$0x3FB8] =	sst s10  }
0x32: {  	s10 =	sld [smem:$0x3FB6];
	_ =	sdelay $0x3  }
0x33: {  	p0 =	seq.s32 s10, $0x1;
	s10 =	sld [smem:$0x3FB8];
	_ =	sdelay $0x3  }
0x34: {  	[smem:$0x3FB8] =	sst s10  }
0x35: {  	s10 =	sld [smem:$0x3FB7];
	_ =	sdelay $0x3  }
0x36: {  	p1 =	seq.s32 s10, $0x1;
	s10 =	sld [smem:$0x3FB8];
	_ =	sdelay $0x3  }
0x37: {  	[smem:$0x3FB8] =	sst s10  }
0x38: {  	s10 =	sld [smem:$0x3FB9]  }
0x39: {  	_ = 	snop;
	(pc) =	sbr.ind lr, $3  }
0x3a: {  	_ = 	snop  }
0x3b: {  	_ = 	snop  }
0x3c: {  	p2 =	seq.s32 s10, $0x1;
	s10 =	sld [smem:$0x3FB8]  }
0x3d: {  	_ =	shalt  }
0x3e: {  	_ =	shalt  }
0x3f: {  	_ =	shalt  }
0x40: {  	_ =	shalt  }
0x41: {  	_ =	shalt  }
0x42: {  	_ =	shalt  }
0x43: {  	_ =	shalt  }
0x44: {  	_ =	shalt  }
0x45: {  	_ =	shalt  }
0x46: {  	_ =	shalt  }
0x47: {  	_ =	shalt  }
0x48: {  	_ =	shalt  }
0x49: {  	_ =	shalt  }
0x4a: {  	_ =	shalt  }
0x4b: {  	_ =	shalt  }
0x4c: {  	_ =	shalt  }
0x4d: {  	_ =	shalt  }
0x4e: {  	_ =	shalt  }
0x4f: {  	_ =	shalt  }
0x50: {  	_ =	shalt  }
0x51: {  	_ =	shalt  }
0x52: {  	_ =	shalt  }
0x53: {  	_ =	shalt  }
0x54: {  	_ =	shalt  }
0x55: {  	_ =	shalt  }
0x56: {  	_ =	shalt  }
0x57: {  	_ =	shalt  }
0x58: {  	_ =	shalt  }
0x59: {  	_ =	shalt  }
0x5a: {  	_ =	shalt  }
0x5b: {  	_ =	shalt  }
0x5c: {  	_ =	shalt  }
0x5d: {  	_ =	shalt  }
0x5e: {  	_ =	shalt  }
0x5f: {  	_ =	shalt  }
0x60: {  	_ =	shalt  }
0x61: {  	_ =	shalt  }
0x62: {  	_ =	shalt  }
0x63: {  	_ =	shalt  }
0x64: {  	_ =	shalt  }
0x65: {  	_ =	shalt  }
0x66: {  	_ =	shalt  }
0x67: {  	_ =	shalt  }
0x68: {  	_ =	shalt  }
0x69: {  	_ =	shalt  }
0x6a: {  	_ =	shalt  }
0x6b: {  	_ =	shalt  }
0x6c: {  	_ =	shalt  }
0x6d: {  	_ =	shalt  }
0x6e: {  	_ =	shalt  }
0x6f: {  	_ =	shalt  }
0x70: {  	_ =	shalt  }
0x71: {  	_ =	shalt  }
0x72: {  	_ =	shalt  }
0x73: {  	_ =	shalt  }
0x74: {  	_ =	shalt  }
0x75: {  	_ =	shalt  }
0x76: {  	_ =	shalt  }
0x77: {  	_ =	shalt  }
0x78: {  	_ =	shalt  }
0x79: {  	_ =	shalt  }
0x7a: {  	_ =	shalt  }
0x7b: {  	_ =	shalt  }
0x7c: {  	_ =	shalt  }
0x7d: {  	_ =	shalt  }
0x7e: {  	_ =	shalt  }
0x7f: {  	_ =	shalt  }
0x80: {  	_ =	shalt  }
0x81: {  	_ =	shalt  }
0x82: {  	_ =	shalt  }
0x83: {  	_ =	shalt  }
0x84: {  	_ =	shalt  }
0x85: {  	_ =	shalt  }
0x86: {  	_ =	shalt  }
0x87: {  	_ =	shalt  }
.Lfunc_end0:
.L_simem_size_0:
called_computation_lowered:
.L_overlay_start_0:
0x88: {  	s2 =	sld [smem:$0x3FD9]  }
0x89: {  	s3 =	sld [smem:$0x3FFE];
	_ =	sdelay $0x1  }
0x8a: {  	s1 =	srdreg.scid  }
0x8b: {  	s0 =	sand.u32 $0x1, s1  }
0x8c: {  	s18 =	sshll.u32 s0, $0xA;
	s2 =	sadd.s32 s3, s2  }
0x8d: {  	s2 =	sadd.s32 s2, s18  }
0x8e: {  	[smem:$0x3FC4] =	sst s2  }
0x8f: {  	_ = 	snop  }
0x90: {  	s2 =	sld [smem:$0x3FC9]  }
0x91: {  	s19 =	sld [smem:$0x3FC8]  }
0x92: {  	s4 =	sld [smem:$0x3FC7]  }
0x93: {  	s5 =	sld [smem:$0x3FC6]  }
0x94: {  	s6 =	sld [smem:$0x3FD0];
	(tm) =	ssettm $0x1  }
0x95: {  	s7 =	sld [smem:$0x3FFB];
	_ =	sdelay $0x3  }
0x96: {  	_ =	strace s7  }
0x97: {  	s7 =	sld [smem:$0x3FFC];
	_ =	sdelay $0x3  }
0x98: {  	_ =	strace s7  }
0x99: {  	s7 =	sld [smem:$0x3FFD];
	_ =	sdelay $0x3  }
0x9a: {  	_ =	strace s7  }
0x9b: {  	_ =	strace $0x8FFFFFFF  }
0x9c: {  	s20 =	sld [smem:$0x3FDB];
	_ =	sdelay $0x1  }
0x9d: {  	s8 =	simm.s32 $_scs_section_size  }
0x9e: {  	s9 =	simm.s32 $_size__tile_overlayer_lowered;
	s10 =	simm.s32 $_tile_overlayer_lowered  }
0x9f: {  	s23 =	simm.s32 $0x1BFF;
	s22 =	sshll.u32 s10, $0x1;
	s7 =	sadd.s32 s8, s20  }
0xa0: {  	s11 =	simm.s32 $0x0;
	s21 =	sshll.u32 s9, $0x1;
	s9 =	sadd.s32 s22, s7  }
0xa1: {  	[timem:s11], [sflag:s23] =	dma.local [hbm:s9], s21  }
0xa2: {  	_ =	swait.ge [sflag:s23], s21  }
0xa3: {  	s8 =	ssub.s32 $0x0, s21;
	[sflag:s23] =	ssyncset.done $0x0  }
0xa4: {  	[sflag:s23] =	ssyncadd.s32 s8;
	_ =	sdelay $0x1  }
0xa5: {  	s24 =	simm.s32 $0x1B8B  }
0xa6: {  	_ =	swait.ge [sflag:s24], $0x1  }
0xa7: {  	[sflag:s24] =	ssyncset.done $0x0  }
0xa8: {  	s25 =	simm.s32 $0x1B8E;
	[sflag:s24] =	ssyncadd.s32 $0xFFFFFFFF  }
0xa9: {  	s26 =	simm.s32 $execute0_lowered;
	[smem:$0x3FD2] =	sst s25  }
0xaa: {  	s8 =	sshll.u32 s26, $0x1;
	_ =	strace $0x80000046;
	[dreg:$0x1] =	wrdreg $0xFFFFFFFF  }
0xab: {  	s28 =	simm.s32 $_size_execute0_lowered;
	s7 =	sadd.s32 s7, s8;
	[dreg:$0x0] =	wrdreg $0x0  }
0xac: {  	s8 =	sshll.u32 s28, $0x1;
	[dreg:$0x2] =	wrdreg s7  }
0xad: {  	[dreg:$0x3] =	wrdreg s8  }
0xae: {  	[dreg:$0x4] =	wrdreg $0xC0  }
0xaf: {  	_ =	task [dreg:s11], $0x5FFFF  }
0xb0: {  	[dreg:$0x1] =	wrdreg $0xFFFFFFFF  }
0xb1: {  	[dreg:$0x0] =	wrdreg $0x60  }
0xb2: {  	[dreg:$0x2] =	wrdreg s2  }
0xb3: {  	[dreg:$0x3] =	wrdreg s19  }
0xb4: {  	[dreg:$0x4] =	wrdreg s4  }
0xb5: {  	[dreg:$0x5] =	wrdreg s5  }
0xb6: {  	[dreg:$0x6] =	wrdreg s6  }
0xb7: {  	[dreg:$0x7] =	wrdreg $0x9  }
0xb8: {  	_ =	task.clear_ibuf [dreg:s11], $0x8FFFF;
	_ =	strace $0x90000046  }
0xb9: {  	s29 =	simm.s32 $0x9;
	_ =	strace $0x80000048  }
0xba: {  	_ =	swait.ge [sflag:s29], $0x1  }
0xbb: {  	[sflag:s29] =	ssyncadd.s32 $0xFFFFFFFF  }
0xbc: {  	_ =	strace $0x90000048  }
0xbd: {  	_ =	sfence  }
0xbe: {  	s30 =	sld [smem:$0x0];
	_ =	sdelay $0x2  }
0xbf: {  	s31 =	sshll.u32 s1, $0xD;
	s1 =	sshrl.u32 s1, $0x2  }
0xc0: {  	s3 =	sand.u32 $0x4000, s31;
	s1 =	sadd.s32 s1, s30  }
0xc1: {  	s0 =	sor.u32 s3, s0;
	s1 =	sshll.u32 s1, $0x11  }
0xc2: {  	s0 =	sor.u32 s1, s0  }
0xc3: {  	s0 =	sadd.s32 $0x8F2B, s0  }
0xc4: {  	[sflag:s0] =	ssyncadd.remote.s32 $0x1  }
0xc5: {  	_ =	sfence.sel $0xFFFF  }
0xc6: {  	[dreg:$0x0] =	wrdreg $0xFFFFFFFF;
	(pc) =	sbr.abs _section_cstart, $3  }
0xc7: {  	[dreg:$0x1] =	wrdreg $0xFFFFFFFF  }
0xc8: {  	_ =	task.clear_ibuf [dreg:s11], $0x2FFFF;
	_ =	strace $0x9FFFFFFF  }
0xc9: {  	(tm) =	ssettm $0x7FFFFFFF  }
tec
execute0_lowered:
.L_overlay_start_1:
0x0: {  	(tag) =	ssettag $0x1  }
0x1: {  	s1 =	rddreg [dreg:$0x0]  }
0x2: {  	s2 =	rddreg [dreg:$0x1]  }
0x3: {  	s6 =	rddreg [dreg:$0x4]  }
0x4: {  	s0 =	srdreg.scid;
	s3 =	stileid.u32  }
0x5: {  	s7 =	simm.s32 $0x0;
	s15 =	simm.s32 $0x4B00;
	s16 =	simm.s32 $0x7  }
0x6: {  	s17 =	simm.s32 $0x4B80;
	s21 =	simm.s32 $0x1;
	s22 =	simm.s32 $0x3  }
0x7: {  	s23 =	simm.s32 $0x3200;
	s24 =	simm.s32 $0x2;
	s25 =	simm.s32 $0x4  }
0x8: {  	s26 =	simm.s32 $0x3E80;
	s0 =	sand.u32 $0x1, s0;
	s3 =	sshll.u32 s3, $0x1  }
0x9: {  	s28 =	simm.s32 $0x5;
	s29 =	simm.s32 $0x6;
	s8 =	sor.u32 s0, s3  }
0xa: {  	s30 =	simm.s32 $0x0;
	[smem:$0x7FF] =	sst s7;
	s3 =	smul.u32 $0xC80, s8  }
.Ltmp0:
0xb: {  	_ =	strace $0x80000047;
	s0 =	ssub.s32 $0x2, s0;
	(pc) =	sbr.rel .LBB2_1-.Ltmp0, $4  }
0xc: {  	s4 =	sshrl.u32 s0, $0x1;
	s5 =	ssub.s32 $0x501, s8;
	s11 =	smul.u32 $0x190, s8  }
0xd: {  	s0 =	ssub.s32 s0, s4;
	s9 =	sshrl.u32 s5, $0x5;
	s3 =	sshrl.u32 s3, $0x3  }
0xe: {  	s10 =	sadd.s32 s1, s11;
	s11 =	sadd.s32 s2, s11;
	s3 =	sadd.s32 $0x3200, s3  }
0xf: {  	s14 =	smax.u32 s0, $0x1;
	s12 =	sadd.s32 s1, s3;
	s13 =	sadd.s32 s2, s3  }
.LBB2_13:
0x10: {  	s30 =	sadd.s32 $0x1, s30  }
0x11: {  	_ =	swait.ge [sflag:s28], $0xC80;
	p0 =	sne.s32 s30, s14  }
.Ltmp1:
0x12: {  	[sflag:s28] =	ssyncset.done $0x0;
	(pc) =	sbr.rel @!p0 .LBB2_14-.Ltmp1, $4  }
0x13: {  	[sflag:s28] =	ssyncadd.s32 $0xFFFFF380  }
0x14: {  	_ =	swait.ge [sflag:s29], $0xC80  }
0x15: {  	[sflag:s29] =	ssyncset.done $0x0  }
0x16: {  	[sflag:s29] =	ssyncadd.s32 $0xFFFFF380  }
.LBB2_1:
0x17: {  	s0 =	rddreg [dreg:$0x2]  }
0x18: {  	[tilespmem:s15], [sflag:$0x7] =	stream.linear.gather [hbm4b:s0+s7], $0x80, $0x38;
	[tilespmem:$0x4C00] =	vst v63  }
0x19: {  	_ =	swait.ge [sflag:s16], $0x80  }
0x1a: {  	[sflag:s16] =	ssyncset.done $0x0  }
0x1b: {  	[sflag:s16] =	ssyncadd.s32 $0xFFFFFF80  }
0x1c: {  	s5 =	rddreg [dreg:$0x3]  }
0x1d: {  	[tilespmem:s17], [sflag:$0x7] =	stream.linear.gather [hbm4b:s5+s7], $0x80, $0x38;
	[tilespmem:$0x4C00] =	vst v63  }
0x1e: {  	_ =	swait.ge [sflag:s16], $0x80  }
0x1f: {  	[sflag:s16] =	ssyncset.done $0x0  }
0x20: {  	[sflag:s16] =	ssyncadd.s32 $0xFFFFFF80  }
0x21: {  	[tilespmem:s7], [sflag:$0x1] =	stream.linear.gather [hbm4b:s10+s7], $0xC80, $0x38;
	[tilespmem:$0x4C00] =	vst v63  }
0x22: {  	s18 =	simm.s32 $0x1900  }
0x23: {  	[tilespmem:s18], [sflag:$0x3] =	stream.linear.gather [hbm4b:s11+s7], $0xC80, $0x38;
	[tilespmem:$0x4C00] =	vst v63  }
.Ltmp2:
0x24: {  	_ = 	snop;
	(pc) =	sbr.rel .LBB2_2-.Ltmp2, $4  }
0x25: {  	s19 =	simm.s32 $0xC80  }
0x26: {  	[tilespmem:s19], [sflag:$0x2] =	stream.linear.gather [hbm4b:s12+s7], $0xC80, $0x38;
	[tilespmem:$0x4C00] =	vst v63  }
0x27: {  	s20 =	simm.s32 $0x2580;
	s31 =	simm.s32 $0x0  }
0x28: {  	[tilespmem:s20], [sflag:$0x4] =	stream.linear.gather [hbm4b:s13+s7], $0xC80, $0x38;
	[tilespmem:$0x4C00] =	vst v63  }
.LBB2_12:
0x29: {  	s31 =	sadd.s32 $0x1, s31  }
0x2a: {  	p0 =	sne.s32 s31, $0x14  }
.Ltmp3:
0x2b: {  	_ = 	snop;
	(pc) =	sbr.rel @!p0 .LBB2_13-.Ltmp3, $1  }
0x2c: {  	_ =	sdelay $0x3  }
.LBB2_2:
0x2d: {  	_ =	swait.ge [sflag:s21], $0xC80  }
0x2e: {  	[sflag:s21] =	ssyncset.done $0x0  }
0x2f: {  	[sflag:s21] =	ssyncadd.s32 $0xFFFFF380  }
0x30: {  	_ =	swait.ge [sflag:s22], $0xC80  }
0x31: {  	p0 =	seq.s32 s31, $0x0;
	[sflag:s22] =	ssyncset.done $0x0  }
0x32: {  	s0 =	simm.s32 @!p0 $0x5;
	[sflag:s22] =	ssyncadd.s32 $0xFFFFF380  }
0x33: {  	_ =	swait.ge @!p0 [sflag:s0], $0xC80  }
0x34: {  	[sflag:s0] =	ssyncset.done @!p0 $0x0  }
0x35: {  	s20 =	simm.s32 $0x1980;
	[sflag:s0] =	ssyncadd.s32 @!p0 $0xFFFFF380  }
0x36: {  	v0 =	vld [tilespmem:s20+$0x70]  }
0x37: {  	v1 =	vld [tilespmem:s20+$0xFFFFFF90]  }
0x38: {  	v2 =	vld [tilespmem:s20+$0xFFFFFFA0]  }
0x39: {  	v3 =	vld [tilespmem:s20+$0xFFFFFFB0]  }
0x3a: {  	v4 =	vld [tilespmem:s20+$0xFFFFFFC0]  }
0x3b: {  	v5 =	vld [tilespmem:s20+$0xFFFFFFD0]  }
0x3c: {  	v6 =	vld [tilespmem:s20+$0xFFFFFFE0]  }
0x3d: {  	s4 =	simm.s32 $0x80;
	v7 =	vld [tilespmem:s20+$0xFFFFFFF0]  }
0x3e: {  	v9 =	vld [tilespmem:s4+$0x70]  }
0x3f: {  	v10 =	vld [tilespmem:s20+$0x0]  }
0x40: {  	v11 =	vld [tilespmem:s20+$0x10]  }
0x41: {  	v12 =	vld [tilespmem:s20+$0x20]  }
0x42: {  	v13 =	vld [tilespmem:s20+$0x30]  }
0x43: {  	v14 =	vld [tilespmem:s20+$0x40]  }
0x44: {  	v15 =	vld [tilespmem:s20+$0x50]  }
0x45: {  	v16 =	vld [tilespmem:s20+$0x60]  }
0x46: {  	v17 =	vld [tilespmem:s20+$0xFFFFFF80]  }
0x47: {  	v33 =	vld [tilespmem:s4+$0xFFFFFF80]  }
0x48: {  	v34 =	vld [tilespmem:s4+$0xFFFFFF90]  }
0x49: {  	v35 =	vld [tilespmem:s4+$0xFFFFFFA0]  }
0x4a: {  	v36 =	vld [tilespmem:s4+$0xFFFFFFB0]  }
0x4b: {  	v37 =	vld [tilespmem:s4+$0xFFFFFFC0]  }
0x4c: {  	v38 =	vld [tilespmem:s4+$0xFFFFFFD0]  }
0x4d: {  	v39 =	vld [tilespmem:s4+$0xFFFFFFE0]  }
0x4e: {  	v40 =	vld [tilespmem:s4+$0xFFFFFFF0]  }
0x4f: {  	v41 =	vld [tilespmem:s4+$0x0]  }
0x50: {  	v42 =	vld [tilespmem:s4+$0x10]  }
0x51: {  	v45 =	vld [tilespmem:s4+$0x40]  }
0x52: {  	v46 =	vld [tilespmem:s4+$0x50]  }
0x53: {  	v8 =	vld.idx.msk [tilespmem:v0+s15+$0x0], $0xffff  }
0x54: {  	v0 =	vld.idx.msk [tilespmem:v0+s17+$0x0], $0xffff  }
0x55: {  	v18 =	vld.idx.msk [tilespmem:v1+s15+$0x0], $0xffff  }
0x56: {  	v19 =	vld.idx.msk [tilespmem:v2+s15+$0x0], $0xffff  }
0x57: {  	v20 =	vld.idx.msk [tilespmem:v3+s15+$0x0], $0xffff  }
0x58: {  	v21 =	vld.idx.msk [tilespmem:v4+s15+$0x0], $0xffff  }
0x59: {  	v22 =	vld.idx.msk [tilespmem:v5+s15+$0x0], $0xffff  }
0x5a: {  	v23 =	vld.idx.msk [tilespmem:v6+s15+$0x0], $0xffff  }
0x5b: {  	v24 =	vld.idx.msk [tilespmem:v7+s15+$0x0], $0xffff  }
0x5c: {  	v25 =	vld.idx.msk [tilespmem:v17+s15+$0x0], $0xffff  }
0x5d: {  	v26 =	vld.idx.msk [tilespmem:v10+s15+$0x0], $0xffff  }
0x5e: {  	v27 =	vld.idx.msk [tilespmem:v11+s15+$0x0], $0xffff  }
0x5f: {  	v28 =	vld.idx.msk [tilespmem:v12+s15+$0x0], $0xffff  }
0x60: {  	v29 =	vld.idx.msk [tilespmem:v13+s15+$0x0], $0xffff  }
0x61: {  	v30 =	vld.idx.msk [tilespmem:v14+s15+$0x0], $0xffff  }
0x62: {  	v31 =	vld.idx.msk [tilespmem:v15+s15+$0x0], $0xffff  }
0x63: {  	v32 =	vld.idx.msk [tilespmem:v16+s15+$0x0], $0xffff  }
0x64: {  	v17 =	vld.idx.msk [tilespmem:v17+s17+$0x0], $0xffff  }
0x65: {  	v1 =	vld.idx.msk [tilespmem:v1+s17+$0x0], $0xffff  }
0x66: {  	v2 =	vld.idx.msk [tilespmem:v2+s17+$0x0], $0xffff  }
0x67: {  	v3 =	vld.idx.msk [tilespmem:v3+s17+$0x0], $0xffff  }
0x68: {  	v4 =	vld.idx.msk [tilespmem:v4+s17+$0x0], $0xffff  }
0x69: {  	v5 =	vld.idx.msk [tilespmem:v5+s17+$0x0], $0xffff  }
0x6a: {  	v58 =	vld.idx.msk [tilespmem:v6+s17+$0x0], $0xffff  }
0x6b: {  	v61 =	vld.idx.msk [tilespmem:v7+s17+$0x0], $0xffff;
	v8 =	vmul.f32 v9, v8  }
0x6c: {  	v63 =	vld.idx.msk [tilespmem:v10+s17+$0x0], $0xffff;
	v9 =	vmul.f32 v34, v18  }
0x6d: {  	v6 =	vld.idx.msk [tilespmem:v11+s17+$0x0], $0xffff;
	v55 =	vmul.f32 v36, v20;
	v0 =	vadd.f32 v8, v0  }
0x6e: {  	s3 =	simm.s32 $0x3280;
	v7 =	vld.idx.msk [tilespmem:v12+s17+$0x0], $0xffff;
	v56 =	vmul.f32 v37, v21;
	v1 =	vadd.f32 v9, v1  }
0x6f: {  	v43 =	vld [tilespmem:s4+$0x20];
	v57 =	vmul.f32 v38, v22;
	v59 =	vmul.f32 v39, v23;
	v3 =	vadd.f32 v55, v3;
	[tilespmem:s3+$0x70] =	vst v0  }
0x70: {  	v44 =	vld [tilespmem:s4+$0x30];
	v60 =	vmul.f32 v40, v24;
	v8 =	vmul.f32 v33, v25;
	v9 =	vadd.f32 v56, v4;
	[tilespmem:s3+$0xFFFFFF90] =	vst v1  }
0x71: {  	v47 =	vld [tilespmem:s4+$0x60];
	v62 =	vmul.f32 v41, v26;
	v10 =	vadd.f32 v57, v5;
	v4 =	vmul.f32 v45, v30;
	[tilespmem:s3+$0xFFFFFFB0] =	vst v3  }
0x72: {  	v11 =	vadd.f32 v59, v58;
	v0 =	vmul.f32 v35, v19;
	v8 =	vadd.f32 v8, v17;
	[tilespmem:s3+$0xFFFFFFC0] =	vst v9  }
0x73: {  	v5 =	vmul.f32 v46, v31;
	v12 =	vadd.f32 v62, v63;
	v9 =	vld.idx.msk [tilespmem:v14+s17+$0x0], $0xffff;
	[tilespmem:s3+$0xFFFFFFD0] =	vst v10  }
0x74: {  	v1 =	vmul.f32 v43, v28;
	[tilespmem:s3+$0xFFFFFF80] =	vst v8;
	v2 =	vadd.f32 v0, v2;
	v8 =	vld.idx.msk [tilespmem:v13+s17+$0x0], $0xffff  }
0x75: {  	v10 =	vld.idx.msk [tilespmem:v15+s17+$0x0], $0xffff;
	[tilespmem:s3+$0xFFFFFFE0] =	vst v11;
	v0 =	vmul.f32 v42, v27;
	v13 =	vadd.f32 v60, v61  }
0x76: {  	s5 =	simm.s32 $0x0;
	s18 =	simm.s32 $0x1A80;
	s0 =	sshll.u32 s31, $0x1;
	v3 =	vmul.f32 v47, v32;
	v11 =	vld.idx.msk [tilespmem:v16+s17+$0x0], $0xffff;
	[tilespmem:s3+$0xFFFFFFA0] =	vst v2;
	v2 =	vmul.f32 v44, v29  }
.LBB2_3:
0x77: {  	v14 =	vld [tilespmem:s18+$0x70];
	s5 =	sadd.s32 $0x10, s5;
	[tilespmem:s3+$0xFFFFFFF0] =	vst v13;
	v0 =	vadd.f32 v0, v6  }
0x78: {  	v1 =	vadd.f32 v1, v7;
	v6 =	vld [tilespmem:s18+$0xFFFFFF90];
	p1 =	slt.u32 s5, $0xB0;
	[tilespmem:s3+$0x0] =	vst v12  }
0x79: {  	v7 =	vld [tilespmem:s18+$0xFFFFFFA0];
	[tilespmem:s3+$0x10] =	vst v0;
	v0 =	vadd.f32 v2, v8  }
0x7a: {  	v8 =	vld [tilespmem:s18+$0xFFFFFFB0];
	[tilespmem:s3+$0x20] =	vst v1;
	v1 =	vadd.f32 v4, v9  }
0x7b: {  	v9 =	vld [tilespmem:s18+$0xFFFFFFC0];
	[tilespmem:s3+$0x30] =	vst v0;
	v0 =	vadd.f32 v5, v10  }
0x7c: {  	v10 =	vld [tilespmem:s18+$0xFFFFFFD0];
	[tilespmem:s3+$0x40] =	vst v1;
	v1 =	vadd.f32 v3, v11  }
0x7d: {  	v11 =	vld [tilespmem:s18+$0xFFFFFFE0];
	[tilespmem:s3+$0x50] =	vst v0  }
0x7e: {  	v12 =	vld [tilespmem:s18+$0xFFFFFFF0];
	[tilespmem:s3+$0x60] =	vst v1  }
0x7f: {  	s4 =	sadd.s32 $0x100, s4;
	v0 =	vld.idx.msk [tilespmem:v14+s15+$0x0], $0xffff  }
0x80: {  	v1 =	vld [tilespmem:s4+$0x70]  }
0x81: {  	v2 =	vld.idx.msk [tilespmem:v14+s17+$0x0], $0xffff  }
0x82: {  	v13 =	vld [tilespmem:s18+$0x0]  }
0x83: {  	v14 =	vld [tilespmem:s18+$0x10]  }
0x84: {  	v15 =	vld [tilespmem:s18+$0x20]  }
0x85: {  	v16 =	vld [tilespmem:s18+$0x30];
	v0 =	vmul.f32 v1, v0  }
0x86: {  	v17 =	vld [tilespmem:s18+$0x40]  }
0x87: {  	v18 =	vld [tilespmem:s18+$0x50];
	v0 =	vadd.f32 v0, v2  }
0x88: {  	s3 =	sadd.s32 $0x100, s3;
	v19 =	vld [tilespmem:s18+$0x60]  }
0x89: {  	s19 =	simm.s32 $0x0;
	v1 =	vld [tilespmem:s18+$0xFFFFFF80];
	[tilespmem:s3+$0x70] =	vst v0  }
0x8a: {  	v0 =	vld.idx.msk [tilespmem:v6+s15+$0x0], $0xffff  }
0x8b: {  	v2 =	vld.idx.msk [tilespmem:v7+s15+$0x0], $0xffff  }
0x8c: {  	v3 =	vld.idx.msk [tilespmem:v8+s15+$0x0], $0xffff  }
0x8d: {  	v4 =	vld.idx.msk [tilespmem:v9+s15+$0x0], $0xffff  }
0x8e: {  	v5 =	vld.idx.msk [tilespmem:v10+s15+$0x0], $0xffff  }
0x8f: {  	v20 =	vld.idx.msk [tilespmem:v11+s15+$0x0], $0xffff  }
0x90: {  	v21 =	vld.idx.msk [tilespmem:v12+s15+$0x0], $0xffff  }
0x91: {  	v22 =	vld.idx.msk [tilespmem:v1+s15+$0x0], $0xffff  }
0x92: {  	v23 =	vld.idx.msk [tilespmem:v13+s15+$0x0], $0xffff  }
0x93: {  	v24 =	vld.idx.msk [tilespmem:v14+s15+$0x0], $0xffff  }
0x94: {  	v25 =	vld.idx.msk [tilespmem:v15+s15+$0x0], $0xffff  }
0x95: {  	v26 =	vld.idx.msk [tilespmem:v16+s15+$0x0], $0xffff  }
0x96: {  	v27 =	vld.idx.msk [tilespmem:v17+s15+$0x0], $0xffff  }
0x97: {  	v28 =	vld.idx.msk [tilespmem:v18+s15+$0x0], $0xffff  }
0x98: {  	v29 =	vld.idx.msk [tilespmem:v19+s15+$0x0], $0xffff  }
0x99: {  	v30 =	vld [tilespmem:s4+$0xFFFFFF80]  }
0x9a: {  	v31 =	vld [tilespmem:s4+$0xFFFFFF90]  }
0x9b: {  	v32 =	vld [tilespmem:s4+$0xFFFFFFA0]  }
0x9c: {  	v33 =	vld [tilespmem:s4+$0xFFFFFFB0]  }
0x9d: {  	v34 =	vld [tilespmem:s4+$0xFFFFFFC0]  }
0x9e: {  	v22 =	vmul.f32 v30, v22;
	v30 =	vld [tilespmem:s4+$0xFFFFFFD0]  }
0x9f: {  	v31 =	vmul.f32 v31, v0;
	v0 =	vld [tilespmem:s4+$0xFFFFFFE0]  }
0xa0: {  	v32 =	vmul.f32 v32, v2;
	v2 =	vld [tilespmem:s4+$0xFFFFFFF0]  }
0xa1: {  	v33 =	vmul.f32 v33, v3;
	v3 =	vld [tilespmem:s4+$0x0]  }
0xa2: {  	v34 =	vmul.f32 v34, v4;
	v4 =	vld [tilespmem:s4+$0x10]  }
0xa3: {  	v30 =	vmul.f32 v30, v5;
	v5 =	vld [tilespmem:s4+$0x20]  }
0xa4: {  	v20 =	vmul.f32 v0, v20;
	v35 =	vld [tilespmem:s4+$0x30]  }
0xa5: {  	v21 =	vmul.f32 v2, v21;
	v36 =	vld [tilespmem:s4+$0x40]  }
0xa6: {  	v23 =	vmul.f32 v3, v23;
	v3 =	vld [tilespmem:s4+$0x50]  }
0xa7: {  	v0 =	vmul.f32 v4, v24;
	v24 =	vld [tilespmem:s4+$0x60]  }
0xa8: {  	v37 =	vld.idx.msk [tilespmem:v1+s17+$0x0], $0xffff;
	v1 =	vmul.f32 v5, v25  }
0xa9: {  	v6 =	vld.idx.msk [tilespmem:v6+s17+$0x0], $0xffff;
	v2 =	vmul.f32 v35, v26  }
0xaa: {  	v7 =	vld.idx.msk [tilespmem:v7+s17+$0x0], $0xffff;
	v4 =	vmul.f32 v36, v27  }
0xab: {  	v8 =	vld.idx.msk [tilespmem:v8+s17+$0x0], $0xffff;
	v5 =	vmul.f32 v3, v28  }
0xac: {  	v9 =	vld.idx.msk [tilespmem:v9+s17+$0x0], $0xffff;
	v3 =	vmul.f32 v24, v29  }
0xad: {  	v10 =	vld.idx.msk [tilespmem:v10+s17+$0x0], $0xffff  }
0xae: {  	v22 =	vadd.f32 v22, v37;
	v11 =	vld.idx.msk [tilespmem:v11+s17+$0x0], $0xffff  }
0xaf: {  	v6 =	vadd.f32 v31, v6;
	v12 =	vld.idx.msk [tilespmem:v12+s17+$0x0], $0xffff  }
0xb0: {  	v7 =	vadd.f32 v32, v7;
	[tilespmem:s3+$0xFFFFFF80] =	vst v22;
	v22 =	vld.idx.msk [tilespmem:v13+s17+$0x0], $0xffff  }
0xb1: {  	v8 =	vadd.f32 v33, v8;
	[tilespmem:s3+$0xFFFFFF90] =	vst v6;
	v6 =	vld.idx.msk [tilespmem:v14+s17+$0x0], $0xffff  }
.Ltmp4:
0xb2: {  	v9 =	vadd.f32 v34, v9;
	[tilespmem:s3+$0xFFFFFFA0] =	vst v7;
	v7 =	vld.idx.msk [tilespmem:v15+s17+$0x0], $0xffff;
	(pc) =	sbr.rel @p1 .LBB2_3-.Ltmp4, $4  }
0xb3: {  	v10 =	vadd.f32 v30, v10;
	[tilespmem:s3+$0xFFFFFFB0] =	vst v8;
	v8 =	vld.idx.msk [tilespmem:v16+s17+$0x0], $0xffff  }
0xb4: {  	v11 =	vadd.f32 v20, v11;
	[tilespmem:s3+$0xFFFFFFC0] =	vst v9;
	v9 =	vld.idx.msk [tilespmem:v17+s17+$0x0], $0xffff  }
0xb5: {  	v13 =	vadd.f32 v21, v12;
	[tilespmem:s3+$0xFFFFFFD0] =	vst v10;
	v10 =	vld.idx.msk [tilespmem:v18+s17+$0x0], $0xffff  }
0xb6: {  	s18 =	sadd.s32 $0x100, s18;
	v12 =	vadd.f32 v23, v22;
	[tilespmem:s3+$0xFFFFFFE0] =	vst v11;
	v11 =	vld.idx.msk [tilespmem:v19+s17+$0x0], $0xffff  }
0xb7: {  	[tilespmem:s3+$0xFFFFFFF0] =	vst v13;
	v0 =	vadd.f32 v0, v6  }
0xb8: {  	v1 =	vadd.f32 v1, v7;
	[tilespmem:s3+$0x0] =	vst v12  }
0xb9: {  	v60 =	vadd.f32 v2, v8;
	[tilespmem:s3+$0x10] =	vst v0  }
0xba: {  	[tilespmem:s3+$0x20] =	vst v1;
	v61 =	vadd.f32 v4, v9  }
0xbb: {  	[tilespmem:s3+$0x30] =	vst v60;
	v62 =	vadd.f32 v5, v10  }
0xbc: {  	[tilespmem:s3+$0x40] =	vst v61;
	v63 =	vadd.f32 v3, v11  }
0xbd: {  	[tilespmem:s3+$0x50] =	vst v62  }
0xbe: {  	[tilespmem:s3+$0x60] =	vst v63  }
.LBB2_5:
0xbf: {  	s3 =	sshra.s32 s19, $0x2  }
0xc0: {  	v0 =	vld [tilespmem:s3+$0x2500];
	_ =	sdelay $0x6  }
0xc1: {  	v2 =	vld [tilespmem:s3+$0xC00]  }
0xc2: {  	v1 =	vld.idx.msk [tilespmem:v0+s15+$0x0], $0xffff;
	_ =	sdelay $0x1  }
0xc3: {  	v0 =	vld.idx.msk [tilespmem:v0+s17+$0x0], $0xffff;
	_ =	sdelay $0x1  }
0xc4: {  	p1 =	sne.s32 s19, $0x1C0  }
.Ltmp5:
0xc5: {  	v1 =	vmul.f32 v2, v1;
	(pc) =	sbr.rel @p1 .LBB2_5-.Ltmp5, $3  }
0xc6: {  	_ = 	snop  }
0xc7: {  	v0 =	vadd.f32 v1, v0;
	_ =	sdelay $0x1  }
0xc8: {  	s19 =	sadd.s32 $0x40, s19;
	[tilespmem:s3+$0x3E00] =	vst v0  }
0xc9: {  	s3 =	sshll.u32 s31, $0x6;
	s4 =	sadd.s32 $0x2, s0  }
0xca: {  	s3 =	sor.u32 s8, s3;
	p1 =	sge.u32 s4, s9  }
0xcb: {  	s3 =	smul.u32 $0x190, s3;
	s4 =	sshll.u32 @!p1 s4, $0x5  }
0xcc: {  	s4 =	sor.u32 @!p1 s8, s4  }
0xcd: {  	s3 =	sadd.s32 s6, s3;
	s4 =	smul.u32 @!p1 $0x190, s4  }
0xce: {  	[hbm4b:s3+s7] =	stream.linear.scatter [tilespmem:s23], [sflag:$0x5], $0xC80, $0x38;
	[tilespmem:$0x4C00] =	vst v63  }
0xcf: {  	s5 =	simm.s32 @!p1 $0x0;
	s3 =	sadd.s32 @!p1 s1, s4  }
0xd0: {  	[tilespmem:s5], [sflag:$0x1] =	stream.linear.gather @!p1 [hbm4b:s3+s5], $0xC80, $0x38;
	[tilespmem:$0x4C00] =	vst v63  }
0xd1: {  	s3 =	sadd.s32 @!p1 s2, s4;
	s4 =	simm.s32 @!p1 $0x1900  }
0xd2: {  	[tilespmem:s4], [sflag:$0x3] =	stream.linear.gather @!p1 [hbm4b:s3+s5], $0xC80, $0x38;
	[tilespmem:$0x4C00] =	vst v63  }
0xd3: {  	s4 =	sor.u32 $0x1, s0  }
0xd4: {  	p1 =	sge.u32 s4, s9  }
.Ltmp6:
0xd5: {  	_ = 	snop;
	(pc) =	sbr.rel @p1 .LBB2_12-.Ltmp6, $1  }
0xd6: {  	_ =	sdelay $0x3  }
0xd7: {  	_ =	swait.ge [sflag:s24], $0xC80  }
0xd8: {  	[sflag:s24] =	ssyncset.done $0x0  }
0xd9: {  	[sflag:s24] =	ssyncadd.s32 $0xFFFFF380  }
0xda: {  	_ =	swait.ge [sflag:s25], $0xC80  }
0xdb: {  	[sflag:s25] =	ssyncset.done $0x0  }
0xdc: {  	s3 =	simm.s32 @!p0 $0x6;
	[sflag:s25] =	ssyncadd.s32 $0xFFFFF380  }
0xdd: {  	_ =	swait.ge @!p0 [sflag:s3], $0xC80  }
0xde: {  	[sflag:s3] =	ssyncset.done @!p0 $0x0  }
0xdf: {  	s5 =	simm.s32 $0x2600;
	[sflag:s3] =	ssyncadd.s32 @!p0 $0xFFFFF380  }
0xe0: {  	v0 =	vld [tilespmem:s5+$0x70]  }
0xe1: {  	v1 =	vld [tilespmem:s5+$0xFFFFFF90]  }
0xe2: {  	v2 =	vld [tilespmem:s5+$0xFFFFFFA0]  }
0xe3: {  	v3 =	vld [tilespmem:s5+$0xFFFFFFB0]  }
0xe4: {  	v4 =	vld [tilespmem:s5+$0xFFFFFFC0]  }
0xe5: {  	v5 =	vld [tilespmem:s5+$0xFFFFFFD0]  }
0xe6: {  	v6 =	vld [tilespmem:s5+$0xFFFFFFE0]  }
0xe7: {  	s3 =	simm.s32 $0xD00;
	v7 =	vld [tilespmem:s5+$0xFFFFFFF0]  }
0xe8: {  	v9 =	vld [tilespmem:s3+$0x70]  }
0xe9: {  	v10 =	vld [tilespmem:s5+$0x0]  }
0xea: {  	v11 =	vld [tilespmem:s5+$0x10]  }
0xeb: {  	v12 =	vld [tilespmem:s5+$0x20]  }
0xec: {  	v13 =	vld [tilespmem:s5+$0x30]  }
0xed: {  	v14 =	vld [tilespmem:s5+$0x40]  }
0xee: {  	v15 =	vld [tilespmem:s5+$0x50]  }
0xef: {  	v16 =	vld [tilespmem:s5+$0x60]  }
0xf0: {  	v17 =	vld [tilespmem:s5+$0xFFFFFF80]  }
0xf1: {  	v33 =	vld [tilespmem:s3+$0xFFFFFF80]  }
0xf2: {  	v34 =	vld [tilespmem:s3+$0xFFFFFF90]  }
0xf3: {  	v35 =	vld [tilespmem:s3+$0xFFFFFFA0]  }
0xf4: {  	v36 =	vld [tilespmem:s3+$0xFFFFFFB0]  }
0xf5: {  	v37 =	vld [tilespmem:s3+$0xFFFFFFC0]  }
0xf6: {  	v38 =	vld [tilespmem:s3+$0xFFFFFFD0]  }
0xf7: {  	v39 =	vld [tilespmem:s3+$0xFFFFFFE0]  }
0xf8: {  	v40 =	vld [tilespmem:s3+$0xFFFFFFF0]  }
0xf9: {  	v41 =	vld [tilespmem:s3+$0x0]  }
0xfa: {  	v42 =	vld [tilespmem:s3+$0x10]  }
0xfb: {  	v45 =	vld [tilespmem:s3+$0x40]  }
0xfc: {  	v46 =	vld [tilespmem:s3+$0x50]  }
0xfd: {  	v8 =	vld.idx.msk [tilespmem:v0+s15+$0x0], $0xffff  }
0xfe: {  	v0 =	vld.idx.msk [tilespmem:v0+s17+$0x0], $0xffff  }
0xff: {  	v18 =	vld.idx.msk [tilespmem:v1+s15+$0x0], $0xffff  }
0x100: {  	v19 =	vld.idx.msk [tilespmem:v2+s15+$0x0], $0xffff  }
0x101: {  	v20 =	vld.idx.msk [tilespmem:v3+s15+$0x0], $0xffff  }
0x102: {  	v21 =	vld.idx.msk [tilespmem:v4+s15+$0x0], $0xffff  }
0x103: {  	v22 =	vld.idx.msk [tilespmem:v5+s15+$0x0], $0xffff  }
0x104: {  	v23 =	vld.idx.msk [tilespmem:v6+s15+$0x0], $0xffff  }
0x105: {  	v24 =	vld.idx.msk [tilespmem:v7+s15+$0x0], $0xffff  }
0x106: {  	v25 =	vld.idx.msk [tilespmem:v17+s15+$0x0], $0xffff  }
0x107: {  	v26 =	vld.idx.msk [tilespmem:v10+s15+$0x0], $0xffff  }
0x108: {  	v27 =	vld.idx.msk [tilespmem:v11+s15+$0x0], $0xffff  }
0x109: {  	v28 =	vld.idx.msk [tilespmem:v12+s15+$0x0], $0xffff  }
0x10a: {  	v29 =	vld.idx.msk [tilespmem:v13+s15+$0x0], $0xffff  }
0x10b: {  	v30 =	vld.idx.msk [tilespmem:v14+s15+$0x0], $0xffff  }
0x10c: {  	v31 =	vld.idx.msk [tilespmem:v15+s15+$0x0], $0xffff  }
0x10d: {  	v32 =	vld.idx.msk [tilespmem:v16+s15+$0x0], $0xffff  }
0x10e: {  	v17 =	vld.idx.msk [tilespmem:v17+s17+$0x0], $0xffff  }
0x10f: {  	v1 =	vld.idx.msk [tilespmem:v1+s17+$0x0], $0xffff  }
0x110: {  	v2 =	vld.idx.msk [tilespmem:v2+s17+$0x0], $0xffff  }
0x111: {  	v3 =	vld.idx.msk [tilespmem:v3+s17+$0x0], $0xffff  }
0x112: {  	v4 =	vld.idx.msk [tilespmem:v4+s17+$0x0], $0xffff  }
0x113: {  	v5 =	vld.idx.msk [tilespmem:v5+s17+$0x0], $0xffff  }
0x114: {  	v58 =	vld.idx.msk [tilespmem:v6+s17+$0x0], $0xffff  }
0x115: {  	v61 =	vld.idx.msk [tilespmem:v7+s17+$0x0], $0xffff;
	v8 =	vmul.f32 v9, v8  }
0x116: {  	v63 =	vld.idx.msk [tilespmem:v10+s17+$0x0], $0xffff;
	v9 =	vmul.f32 v34, v18  }
0x117: {  	v6 =	vld.idx.msk [tilespmem:v11+s17+$0x0], $0xffff;
	v55 =	vmul.f32 v36, v20;
	v0 =	vadd.f32 v8, v0  }
0x118: {  	s5 =	simm.s32 $0x3F00;
	v7 =	vld.idx.msk [tilespmem:v12+s17+$0x0], $0xffff;
	v56 =	vmul.f32 v37, v21;
	v1 =	vadd.f32 v9, v1  }
0x119: {  	v43 =	vld [tilespmem:s3+$0x20];
	v57 =	vmul.f32 v38, v22;
	v59 =	vmul.f32 v39, v23;
	v3 =	vadd.f32 v55, v3;
	[tilespmem:s5+$0x70] =	vst v0  }
0x11a: {  	v44 =	vld [tilespmem:s3+$0x30];
	v60 =	vmul.f32 v40, v24;
	v8 =	vmul.f32 v33, v25;
	v9 =	vadd.f32 v56, v4;
	[tilespmem:s5+$0xFFFFFF90] =	vst v1  }
0x11b: {  	v47 =	vld [tilespmem:s3+$0x60];
	v62 =	vmul.f32 v41, v26;
	v10 =	vadd.f32 v57, v5;
	v4 =	vmul.f32 v45, v30;
	[tilespmem:s5+$0xFFFFFFB0] =	vst v3  }
0x11c: {  	v11 =	vadd.f32 v59, v58;
	v0 =	vmul.f32 v35, v19;
	v8 =	vadd.f32 v8, v17;
	[tilespmem:s5+$0xFFFFFFC0] =	vst v9  }
0x11d: {  	v5 =	vmul.f32 v46, v31;
	v12 =	vadd.f32 v62, v63;
	v9 =	vld.idx.msk [tilespmem:v14+s17+$0x0], $0xffff;
	[tilespmem:s5+$0xFFFFFFD0] =	vst v10  }
0x11e: {  	v1 =	vmul.f32 v43, v28;
	[tilespmem:s5+$0xFFFFFF80] =	vst v8;
	v2 =	vadd.f32 v0, v2;
	v8 =	vld.idx.msk [tilespmem:v13+s17+$0x0], $0xffff  }
0x11f: {  	v10 =	vld.idx.msk [tilespmem:v15+s17+$0x0], $0xffff;
	[tilespmem:s5+$0xFFFFFFE0] =	vst v11;
	v0 =	vmul.f32 v42, v27;
	v13 =	vadd.f32 v60, v61  }
0x120: {  	s18 =	simm.s32 $0x0;
	s19 =	simm.s32 $0x2700;
	v3 =	vmul.f32 v47, v32;
	v11 =	vld.idx.msk [tilespmem:v16+s17+$0x0], $0xffff;
	[tilespmem:s5+$0xFFFFFFA0] =	vst v2;
	v2 =	vmul.f32 v44, v29  }
.LBB2_8:
0x121: {  	v14 =	vld [tilespmem:s19+$0x70];
	s18 =	sadd.s32 $0x10, s18;
	[tilespmem:s5+$0xFFFFFFF0] =	vst v13;
	v0 =	vadd.f32 v0, v6  }
0x122: {  	v1 =	vadd.f32 v1, v7;
	v6 =	vld [tilespmem:s19+$0xFFFFFF90];
	p0 =	slt.u32 s18, $0xB0;
	[tilespmem:s5+$0x0] =	vst v12  }
0x123: {  	v7 =	vld [tilespmem:s19+$0xFFFFFFA0];
	[tilespmem:s5+$0x10] =	vst v0;
	v0 =	vadd.f32 v2, v8  }
0x124: {  	v8 =	vld [tilespmem:s19+$0xFFFFFFB0];
	[tilespmem:s5+$0x20] =	vst v1;
	v1 =	vadd.f32 v4, v9  }
0x125: {  	v9 =	vld [tilespmem:s19+$0xFFFFFFC0];
	[tilespmem:s5+$0x30] =	vst v0;
	v0 =	vadd.f32 v5, v10  }
0x126: {  	v10 =	vld [tilespmem:s19+$0xFFFFFFD0];
	[tilespmem:s5+$0x40] =	vst v1;
	v1 =	vadd.f32 v3, v11  }
0x127: {  	v11 =	vld [tilespmem:s19+$0xFFFFFFE0];
	[tilespmem:s5+$0x50] =	vst v0  }
0x128: {  	v12 =	vld [tilespmem:s19+$0xFFFFFFF0];
	[tilespmem:s5+$0x60] =	vst v1  }
0x129: {  	s3 =	sadd.s32 $0x100, s3;
	v0 =	vld.idx.msk [tilespmem:v14+s15+$0x0], $0xffff  }
0x12a: {  	v1 =	vld [tilespmem:s3+$0x70]  }
0x12b: {  	v2 =	vld.idx.msk [tilespmem:v14+s17+$0x0], $0xffff  }
0x12c: {  	v13 =	vld [tilespmem:s19+$0x0]  }
0x12d: {  	v14 =	vld [tilespmem:s19+$0x10]  }
0x12e: {  	v15 =	vld [tilespmem:s19+$0x20]  }
0x12f: {  	v16 =	vld [tilespmem:s19+$0x30];
	v0 =	vmul.f32 v1, v0  }
0x130: {  	v17 =	vld [tilespmem:s19+$0x40]  }
0x131: {  	v18 =	vld [tilespmem:s19+$0x50];
	v0 =	vadd.f32 v0, v2  }
0x132: {  	s5 =	sadd.s32 $0x100, s5;
	v19 =	vld [tilespmem:s19+$0x60]  }
0x133: {  	s20 =	simm.s32 $0x0;
	v1 =	vld [tilespmem:s19+$0xFFFFFF80];
	[tilespmem:s5+$0x70] =	vst v0  }
0x134: {  	v0 =	vld.idx.msk [tilespmem:v6+s15+$0x0], $0xffff  }
0x135: {  	v2 =	vld.idx.msk [tilespmem:v7+s15+$0x0], $0xffff  }
0x136: {  	v3 =	vld.idx.msk [tilespmem:v8+s15+$0x0], $0xffff  }
0x137: {  	v4 =	vld.idx.msk [tilespmem:v9+s15+$0x0], $0xffff  }
0x138: {  	v5 =	vld.idx.msk [tilespmem:v10+s15+$0x0], $0xffff  }
0x139: {  	v20 =	vld.idx.msk [tilespmem:v11+s15+$0x0], $0xffff  }
0x13a: {  	v21 =	vld.idx.msk [tilespmem:v12+s15+$0x0], $0xffff  }
0x13b: {  	v22 =	vld.idx.msk [tilespmem:v1+s15+$0x0], $0xffff  }
0x13c: {  	v23 =	vld.idx.msk [tilespmem:v13+s15+$0x0], $0xffff  }
0x13d: {  	v24 =	vld.idx.msk [tilespmem:v14+s15+$0x0], $0xffff  }
0x13e: {  	v25 =	vld.idx.msk [tilespmem:v15+s15+$0x0], $0xffff  }
0x13f: {  	v26 =	vld.idx.msk [tilespmem:v16+s15+$0x0], $0xffff  }
0x140: {  	v27 =	vld.idx.msk [tilespmem:v17+s15+$0x0], $0xffff  }
0x141: {  	v28 =	vld.idx.msk [tilespmem:v18+s15+$0x0], $0xffff  }
0x142: {  	v29 =	vld.idx.msk [tilespmem:v19+s15+$0x0], $0xffff  }
0x143: {  	v30 =	vld [tilespmem:s3+$0xFFFFFF80]  }
0x144: {  	v31 =	vld [tilespmem:s3+$0xFFFFFF90]  }
0x145: {  	v32 =	vld [tilespmem:s3+$0xFFFFFFA0]  }
0x146: {  	v33 =	vld [tilespmem:s3+$0xFFFFFFB0]  }
0x147: {  	v34 =	vld [tilespmem:s3+$0xFFFFFFC0]  }
0x148: {  	v22 =	vmul.f32 v30, v22;
	v30 =	vld [tilespmem:s3+$0xFFFFFFD0]  }
0x149: {  	v31 =	vmul.f32 v31, v0;
	v0 =	vld [tilespmem:s3+$0xFFFFFFE0]  }
0x14a: {  	v32 =	vmul.f32 v32, v2;
	v2 =	vld [tilespmem:s3+$0xFFFFFFF0]  }
0x14b: {  	v33 =	vmul.f32 v33, v3;
	v3 =	vld [tilespmem:s3+$0x0]  }
0x14c: {  	v34 =	vmul.f32 v34, v4;
	v4 =	vld [tilespmem:s3+$0x10]  }
0x14d: {  	v30 =	vmul.f32 v30, v5;
	v5 =	vld [tilespmem:s3+$0x20]  }
0x14e: {  	v20 =	vmul.f32 v0, v20;
	v35 =	vld [tilespmem:s3+$0x30]  }
0x14f: {  	v21 =	vmul.f32 v2, v21;
	v36 =	vld [tilespmem:s3+$0x40]  }
0x150: {  	v23 =	vmul.f32 v3, v23;
	v3 =	vld [tilespmem:s3+$0x50]  }
0x151: {  	v0 =	vmul.f32 v4, v24;
	v24 =	vld [tilespmem:s3+$0x60]  }
0x152: {  	v37 =	vld.idx.msk [tilespmem:v1+s17+$0x0], $0xffff;
	v1 =	vmul.f32 v5, v25  }
0x153: {  	v6 =	vld.idx.msk [tilespmem:v6+s17+$0x0], $0xffff;
	v2 =	vmul.f32 v35, v26  }
0x154: {  	v7 =	vld.idx.msk [tilespmem:v7+s17+$0x0], $0xffff;
	v4 =	vmul.f32 v36, v27  }
0x155: {  	v8 =	vld.idx.msk [tilespmem:v8+s17+$0x0], $0xffff;
	v5 =	vmul.f32 v3, v28  }
0x156: {  	v9 =	vld.idx.msk [tilespmem:v9+s17+$0x0], $0xffff;
	v3 =	vmul.f32 v24, v29  }
0x157: {  	v10 =	vld.idx.msk [tilespmem:v10+s17+$0x0], $0xffff  }
0x158: {  	v22 =	vadd.f32 v22, v37;
	v11 =	vld.idx.msk [tilespmem:v11+s17+$0x0], $0xffff  }
0x159: {  	v6 =	vadd.f32 v31, v6;
	v12 =	vld.idx.msk [tilespmem:v12+s17+$0x0], $0xffff  }
0x15a: {  	v7 =	vadd.f32 v32, v7;
	[tilespmem:s5+$0xFFFFFF80] =	vst v22;
	v22 =	vld.idx.msk [tilespmem:v13+s17+$0x0], $0xffff  }
0x15b: {  	v8 =	vadd.f32 v33, v8;
	[tilespmem:s5+$0xFFFFFF90] =	vst v6;
	v6 =	vld.idx.msk [tilespmem:v14+s17+$0x0], $0xffff  }
.Ltmp7:
0x15c: {  	v9 =	vadd.f32 v34, v9;
	[tilespmem:s5+$0xFFFFFFA0] =	vst v7;
	v7 =	vld.idx.msk [tilespmem:v15+s17+$0x0], $0xffff;
	(pc) =	sbr.rel @p0 .LBB2_8-.Ltmp7, $4  }
0x15d: {  	v10 =	vadd.f32 v30, v10;
	[tilespmem:s5+$0xFFFFFFB0] =	vst v8;
	v8 =	vld.idx.msk [tilespmem:v16+s17+$0x0], $0xffff  }
0x15e: {  	v11 =	vadd.f32 v20, v11;
	[tilespmem:s5+$0xFFFFFFC0] =	vst v9;
	v9 =	vld.idx.msk [tilespmem:v17+s17+$0x0], $0xffff  }
0x15f: {  	v13 =	vadd.f32 v21, v12;
	[tilespmem:s5+$0xFFFFFFD0] =	vst v10;
	v10 =	vld.idx.msk [tilespmem:v18+s17+$0x0], $0xffff  }
0x160: {  	s19 =	sadd.s32 $0x100, s19;
	v12 =	vadd.f32 v23, v22;
	[tilespmem:s5+$0xFFFFFFE0] =	vst v11;
	v11 =	vld.idx.msk [tilespmem:v19+s17+$0x0], $0xffff  }
0x161: {  	[tilespmem:s5+$0xFFFFFFF0] =	vst v13;
	v0 =	vadd.f32 v0, v6  }
0x162: {  	v1 =	vadd.f32 v1, v7;
	[tilespmem:s5+$0x0] =	vst v12  }
0x163: {  	v60 =	vadd.f32 v2, v8;
	[tilespmem:s5+$0x10] =	vst v0  }
0x164: {  	[tilespmem:s5+$0x20] =	vst v1;
	v61 =	vadd.f32 v4, v9  }
0x165: {  	[tilespmem:s5+$0x30] =	vst v60;
	v62 =	vadd.f32 v5, v10  }
0x166: {  	[tilespmem:s5+$0x40] =	vst v61;
	v63 =	vadd.f32 v3, v11  }
0x167: {  	[tilespmem:s5+$0x50] =	vst v62  }
0x168: {  	[tilespmem:s5+$0x60] =	vst v63  }
.LBB2_10:
0x169: {  	s3 =	sshra.s32 s20, $0x2  }
0x16a: {  	v0 =	vld [tilespmem:s3+$0x3180];
	_ =	sdelay $0x6  }
0x16b: {  	v2 =	vld [tilespmem:s3+$0x1880]  }
0x16c: {  	v1 =	vld.idx.msk [tilespmem:v0+s15+$0x0], $0xffff;
	_ =	sdelay $0x1  }
0x16d: {  	v0 =	vld.idx.msk [tilespmem:v0+s17+$0x0], $0xffff;
	_ =	sdelay $0x1  }
0x16e: {  	p0 =	sne.s32 s20, $0x1C0  }
.Ltmp8:
0x16f: {  	v1 =	vmul.f32 v2, v1;
	(pc) =	sbr.rel @p0 .LBB2_10-.Ltmp8, $3  }
0x170: {  	_ = 	snop  }
0x171: {  	v0 =	vadd.f32 v1, v0;
	_ =	sdelay $0x1  }
0x172: {  	s20 =	sadd.s32 $0x40, s20;
	[tilespmem:s3+$0x4A80] =	vst v0  }
0x173: {  	s3 =	sshll.u32 s4, $0x5;
	s0 =	sadd.s32 $0x3, s0  }
0x174: {  	s3 =	sor.u32 s8, s3;
	p0 =	sge.u32 s0, s9  }
0x175: {  	s3 =	smul.u32 $0x190, s3;
	s0 =	sshll.u32 @!p0 s0, $0x5  }
0x176: {  	s0 =	sor.u32 @!p0 s8, s0  }
0x177: {  	s3 =	sadd.s32 s6, s3;
	s0 =	smul.u32 @!p0 $0x190, s0  }
0x178: {  	[hbm4b:s3+s7] =	stream.linear.scatter [tilespmem:s26], [sflag:$0x6], $0xC80, $0x38;
	[tilespmem:$0x4C00] =	vst v63  }
.Ltmp9:
0x179: {  	_ = 	snop;
	(pc) =	sbr.rel .LBB2_12-.Ltmp9, $4  }
0x17a: {  	s4 =	simm.s32 @!p0 $0x0;
	s5 =	simm.s32 @!p0 $0xC80;
	s3 =	sadd.s32 @!p0 s1, s0  }
0x17b: {  	[tilespmem:s5], [sflag:$0x2] =	stream.linear.gather @!p0 [hbm4b:s3+s4], $0xC80, $0x38;
	[tilespmem:$0x4C00] =	vst v63  }
0x17c: {  	s0 =	sadd.s32 @!p0 s2, s0;
	s3 =	simm.s32 @!p0 $0x2580  }
0x17d: {  	[tilespmem:s3], [sflag:$0x4] =	stream.linear.gather @!p0 [hbm4b:s0+s4], $0xC80, $0x38;
	[tilespmem:$0x4C00] =	vst v63  }
.LBB2_14:
0x17e: {  	_ =	sfence.sel $0x180000  }
0x17f: {  	[bflag:$0x0] =	sbarrier.arrive $0xFFFF  }
0x180: {  	_ =	strace $0x90000047  }
0x181: {  	s0 =	stileid.u32;
	[bflag:$0x2] =	sbarrier.arrive $0xFFFF  }
0x182: {  	p0 =	sne.s32 s0, $0x0;
	s0 =	rddreg [dreg:$0x5]  }
0x183: {  	s0 =	sadd.s32 @!p0 $0x100000, s0  }
0x184: {  	[sflag:s0] =	ssyncadd.tile.s32 @!p0 $0x1;
	_ =	shalt  }
.Lfunc_end2:
_tile_overlayer_lowered:
.L_overlay_start_2:
0x185: {  	(tag) =	ssettag $0x2  }
0x186: {  	s0 =	rddreg [dreg:$0x0];
	s2 =	stileid.u32  }
0x187: {  	s1 =	rddreg [dreg:$0x1];
	p0 =	sne.s32 s2, $0x0  }
0x188: {  	s3 =	rddreg [dreg:$0x2];
	[bflag:$0x3] =	sbarrier.arrive $0xFFFF;
	s2 =	simm.s32 @!p0 $0x1C07  }
0x189: {  	[timem:s3], [sflag:s2] =	dma.local @!p0 [hbm:s0], s1  }
0x18a: {  	s0 =	simm.s32 @!p0 $0x7  }
0x18b: {  	_ =	swait.ge @!p0 [sflag:s0], s1  }
0x18c: {  	s1 =	ssub.s32 @!p0 $0x0, s1;
	[sflag:s0] =	ssyncset.done @!p0 $0x0  }
0x18d: {  	[sflag:s0] =	ssyncadd.s32 @!p0 s1  }
0x18e: {  	[bflag:$0x3] =	sbarrier.arrive $0xFFFF  }
0x18f: {  	_ =	shalt  }

</sc_bundles>
